<compile_context>
chip_gen: v7x
topology: tpu7x:2x2x1
jax: 0.10.2.dev20260603
libtpu: 0.0.44.dev20260713+nightly
codegen_flags: <defaults>
</compile_context>

<pallas_src>
import functools

import jax
import jax.numpy as jnp
from jax import lax
from jax.experimental import pallas as pl
from jax.experimental.pallas import tpu as pltpu
from jax.experimental.pallas import tpu_sc as plsc

N_NODES = 10000
N_PAD = 10240
N_EDGES = 320000
CHUNK = 128
NC, NS = 2, 16
NW = NC * NS
CPT = 80
N_CHUNKS = NW * CPT
NBUF = 2
ISB = 4
ROWS_PER_TILE = N_PAD // NS
D = 128


def _sc_scatter(nfeat, src2d, dst2d):
    mesh = plsc.VectorSubcoreMesh(core_axis_name="c", subcore_axis_name="s")

    @functools.partial(
        pl.kernel,
        out_type=(
            jax.ShapeDtypeStruct((NC, N_PAD, D), jnp.float32),
            jax.ShapeDtypeStruct((NC, N_PAD), jnp.float32),
        ),
        mesh=mesh,
        scratch_types=[
            pltpu.VMEM_SHARED((N_PAD, D), jnp.float32),
            pltpu.VMEM_SHARED((N_PAD,), jnp.float32),
            [pltpu.VMEM((CHUNK,), jnp.int32) for _ in range(ISB)],
            [pltpu.VMEM((CHUNK,), jnp.int32) for _ in range(ISB)],
            [pltpu.VMEM((CHUNK, D), jnp.float32) for _ in range(NBUF)],
            pltpu.VMEM((CHUNK,), jnp.float32),
            pltpu.VMEM((ROWS_PER_TILE,), jnp.float32),
            [pltpu.SemaphoreType.DMA for _ in range(NBUF)],
            [pltpu.SemaphoreType.DMA for _ in range(NBUF)],
            [pltpu.SemaphoreType.DMA for _ in range(ISB)],
            [pltpu.SemaphoreType.DMA for _ in range(ISB)],
            [pltpu.SemaphoreType.DMA for _ in range(ISB)],
        ],
    )
    def k(nfeat_h, src_h, dst_h, out_h, deg_h,
          acc_sh, deg_sh, didx, sidx, rows, ones_v, z1d_v,
          gsem, ssem, dsem, isem, jsem):
        c = lax.axis_index("c")
        s = lax.axis_index("s")
        wid = s * NC + c
        chunk0 = wid * CPT

        zeros16 = jnp.zeros((16,), jnp.float32)
        ones16 = jnp.ones((16,), jnp.float32)

        def z1d_body(i, carry):
            z1d_v[pl.ds(i * 16, 16)] = zeros16
            return carry

        lax.fori_loop(0, ROWS_PER_TILE // 16, z1d_body, 0)

        for j in range(CHUNK // 16):
            ones_v[pl.ds(j * 16, 16)] = ones16

        def zrow_body(i, carry):
            for j in range(D // 16):
                rows[0][i, pl.ds(j * 16, 16)] = zeros16
            return carry

        lax.fori_loop(0, CHUNK, zrow_body, 0)

        row0 = s * ROWS_PER_TILE
        for t in range(ROWS_PER_TILE // CHUNK):
            pltpu.sync_copy(rows[0], acc_sh.at[pl.ds(row0 + t * CHUNK, CHUNK)])
        pltpu.sync_copy(z1d_v, deg_sh.at[pl.ds(row0, ROWS_PER_TILE)])

        plsc.subcore_barrier()

        for q in range(ISB):
            pltpu.async_copy(src_h.at[chunk0 + q], sidx[q], isem[q])
            pltpu.async_copy(dst_h.at[chunk0 + q], didx[q], jsem[q])
        for b in range(NBUF):
            pltpu.make_async_copy(src_h.at[chunk0 + b], sidx[b],
                                  isem[b]).wait()
            pltpu.async_copy(nfeat_h.at[sidx[b]], rows[b], gsem[b])

        def body(i, carry):
            for u in range(ISB):
                t = i * ISB + u
                b = u % NBUF
                q2 = (u + NBUF) % ISB

                pltpu.make_async_copy(
                    nfeat_h.at[sidx[u]], rows[b], gsem[b]).wait()
                pltpu.make_async_copy(
                    dst_h.at[chunk0 + t], didx[u], jsem[u]).wait()

                sc = pltpu.async_copy(
                    rows[b], acc_sh.at[didx[u]], ssem[b], add=True)
                dg = pltpu.async_copy(
                    ones_v, deg_sh.at[didx[u]], dsem[u], add=True)
                sc.wait()
                dg.wait()

                @pl.when(t + ISB < CPT)
                def _():
                    pltpu.async_copy(src_h.at[chunk0 + t + ISB],
                                     sidx[u], isem[u])
                    pltpu.async_copy(dst_h.at[chunk0 + t + ISB],
                                     didx[u], jsem[u])

                @pl.when(t + NBUF < CPT)
                def _():
                    pltpu.make_async_copy(src_h.at[chunk0 + t + NBUF],
                                          sidx[q2], isem[q2]).wait()
                    pltpu.async_copy(nfeat_h.at[sidx[q2]], rows[b], gsem[b])
            return carry

        lax.fori_loop(0, CPT // ISB, body, 0)

        plsc.subcore_barrier()

        pltpu.sync_copy(acc_sh.at[pl.ds(row0, ROWS_PER_TILE)],
                        out_h.at[c, pl.ds(row0, ROWS_PER_TILE)])
        pltpu.sync_copy(deg_sh.at[pl.ds(row0, ROWS_PER_TILE)],
                        deg_h.at[c, pl.ds(row0, ROWS_PER_TILE)])

    return k(nfeat, src2d, dst2d)


def _tc_combine(nfeat, p0, p1, d0, d1, W, b2d):
    BLK = 1000
    grid = (N_NODES // BLK,)

    def body(nf, p0r, p1r, d0r, d1r, wr, br, o):
        d = d0r[...] + d1r[...] + 1.0
        r = 1.0 / d
        sfeat = p0r[...] + p1r[...] + 2.0 * nf[...]
        y = lax.dot_general(sfeat, wr[...], (((1,), (1,)), ((), ())),
                            preferred_element_type=jnp.float32)
        o[...] = y * r + br[...] * (1.0 + r)

    return pl.pallas_call(
        body,
        grid=grid,
        in_specs=[
            pl.BlockSpec((BLK, D), lambda i: (i, 0)),
            pl.BlockSpec((BLK, D), lambda i: (i, 0)),
            pl.BlockSpec((BLK, D), lambda i: (i, 0)),
            pl.BlockSpec((BLK, 1), lambda i: (i, 0)),
            pl.BlockSpec((BLK, 1), lambda i: (i, 0)),
            pl.BlockSpec((D, D), lambda i: (0, 0)),
            pl.BlockSpec((1, D), lambda i: (0, 0)),
        ],
        out_specs=pl.BlockSpec((BLK, D), lambda i: (i, 0)),
        out_shape=jax.ShapeDtypeStruct((N_NODES, D), jnp.float32),
    )(nfeat, p0, p1, d0, d1, W, b2d)


def kernel(nfeat, edge_index, W_neigh, b_neigh):
    src = edge_index[0].astype(jnp.int32)
    dst = edge_index[1].astype(jnp.int32)
    pad = N_CHUNKS * CHUNK - N_EDGES
    ar = jnp.arange(pad, dtype=jnp.int32)
    src2d = jnp.concatenate(
        [src, ar % N_NODES]).reshape(N_CHUNKS, CHUNK)
    dst2d = jnp.concatenate(
        [dst, N_NODES + ar % (N_PAD - N_NODES)]).reshape(N_CHUNKS, CHUNK)
    partial, deg = _sc_scatter(nfeat, src2d, dst2d)
    out = _tc_combine(nfeat, partial[0], partial[1],
                      deg[0].reshape(N_PAD, 1), deg[1].reshape(N_PAD, 1),
                      W_neigh, b_neigh.reshape(1, D))
    return out

# --- scband reference (transcript-rebuilt; emitter-appended) ---
"""Pipeline reference for scband-graph-sage-layer-6605659701688 (READ-ONLY COPY).

The authoritative reference and input builder live on the scoring server;
editing this copy changes nothing except your own understanding.
"""

import jax, jax.numpy as jnp
import numpy as np

N_NODES = 10000
N_EDGES = 320000
D_IN = 128
D_OUT = 128


def setup_inputs(seed: int = 0) -> dict:
    key = jax.random.key(seed)
    k1, k2, k3, k4 = jax.random.split(key, 4)
    nfeat = jax.random.normal(k1, (N_NODES, D_IN), dtype=jnp.float32)
    edge_index = jax.random.randint(k2, (2, N_EDGES), 0, N_NODES, dtype=jnp.int64)
    # SAGEConv (aggregator_type='gcn') fc_neigh: Linear(input_dim, output_dim)
    lim = 1.0 / np.sqrt(D_IN)
    W_neigh = jax.random.uniform(k3, (D_OUT, D_IN), dtype=jnp.float32, minval=-lim, maxval=lim)
    b_neigh = jax.random.uniform(k4, (D_OUT,), dtype=jnp.float32, minval=-lim, maxval=lim)
    return {"nfeat": nfeat, "edge_index": edge_index, "W_neigh": W_neigh, "b_neigh": b_neigh}


def reference(nfeat, edge_index, W_neigh, b_neigh):
    # DGL GraphSageLayer with SAGEConv(aggregator_type='gcn'), econv=False.
    src = edge_index[0]
    dst = edge_index[1]
    n = nfeat.shape[0]
    # in-degrees of destination nodes
    deg = jnp.zeros((n,), dtype=jnp.float32).at[dst].add(1.0)
    degs_p1 = deg + 1.0  # graph.in_degrees().float() + 1
    # sfeat = fc_neigh(nfeat) / degs
    sfeat = (nfeat @ W_neigh.T + b_neigh) / degs_p1[:, None]
    # SAGEConv 'gcn' aggregation: sum of source feats scattered to dst, plus self, normalized by (deg+1)
    msgs = jnp.take(nfeat, src, axis=0)
    neigh_sum = jnp.zeros((n, nfeat.shape[1]), dtype=nfeat.dtype).at[dst].add(msgs)
    h_neigh = (neigh_sum + nfeat) / degs_p1[:, None]
    sage_out = h_neigh @ W_neigh.T + b_neigh
    rst = sage_out + sfeat
    return rst

if __name__ == "__main__":
    import jax
    _d = setup_inputs()
    print(jax.jit(kernel)(*tuple(_d.values())))

</pallas_src>

<mosaic_0001>
#map = affine_map<(d0, d1) -> (0, 0)>
#map1 = affine_map<(d0, d1) -> (0, 0, 0)>
module attributes {stable_mosaic.version = 14 : i64} {
  func.func @k(%arg0: i32, %arg1: i32, %arg2: memref<10000x128xf32, #tpu.memory_space<hbm>>, %arg3: memref<2560x128xi32, #tpu.memory_space<hbm>>, %arg4: memref<2560x128xi32, #tpu.memory_space<hbm>>, %arg5: memref<2x10240x128xf32, #tpu.memory_space<hbm>>, %arg6: memref<2x10240xf32, #tpu.memory_space<hbm>>, %arg7: memref<10240x128xf32, #tpu.memory_space<vmem_shared>>, %arg8: memref<10240xf32, #tpu.memory_space<vmem_shared>>, %arg9: memref<128xi32, #tpu.memory_space<vmem>>, %arg10: memref<128xi32, #tpu.memory_space<vmem>>, %arg11: memref<128xi32, #tpu.memory_space<vmem>>, %arg12: memref<128xi32, #tpu.memory_space<vmem>>, %arg13: memref<128xi32, #tpu.memory_space<vmem>>, %arg14: memref<128xi32, #tpu.memory_space<vmem>>, %arg15: memref<128xi32, #tpu.memory_space<vmem>>, %arg16: memref<128xi32, #tpu.memory_space<vmem>>, %arg17: memref<128x128xf32, #tpu.memory_space<vmem>>, %arg18: memref<128x128xf32, #tpu.memory_space<vmem>>, %arg19: memref<128xf32, #tpu.memory_space<vmem>>, %arg20: memref<640xf32, #tpu.memory_space<vmem>>, %arg21: memref<!tpu.dma_semaphore, #tpu.memory_space<semaphore_mem>>, %arg22: memref<!tpu.dma_semaphore, #tpu.memory_space<semaphore_mem>>, %arg23: memref<!tpu.dma_semaphore, #tpu.memory_space<semaphore_mem>>, %arg24: memref<!tpu.dma_semaphore, #tpu.memory_space<semaphore_mem>>, %arg25: memref<!tpu.dma_semaphore, #tpu.memory_space<semaphore_mem>>, %arg26: memref<!tpu.dma_semaphore, #tpu.memory_space<semaphore_mem>>, %arg27: memref<!tpu.dma_semaphore, #tpu.memory_space<semaphore_mem>>, %arg28: memref<!tpu.dma_semaphore, #tpu.memory_space<semaphore_mem>>, %arg29: memref<!tpu.dma_semaphore, #tpu.memory_space<semaphore_mem>>, %arg30: memref<!tpu.dma_semaphore, #tpu.memory_space<semaphore_mem>>, %arg31: memref<!tpu.dma_semaphore, #tpu.memory_space<semaphore_mem>>, %arg32: memref<!tpu.dma_semaphore, #tpu.memory_space<semaphore_mem>>, %arg33: memref<!tpu.dma_semaphore, #tpu.memory_space<semaphore_mem>>, %arg34: memref<!tpu.dma_semaphore, #tpu.memory_space<semaphore_mem>>, %arg35: memref<!tpu.dma_semaphore, #tpu.memory_space<semaphore_mem>>, %arg36: memref<!tpu.dma_semaphore, #tpu.memory_space<semaphore_mem>>) attributes {dimension_semantics = [#tpu.dimension_semantics<core_parallel>, #tpu.dimension_semantics<subcore_parallel>], iteration_bounds = array<i64: 2, 16>, scalar_prefetch = 0 : i64, scratch_operands = 30 : i64, tpu.core_type = #tpu.core_type<sc_vector_subcore>, window_params = [{transform_indices = #map}, {transform_indices = #map}, {transform_indices = #map}, {transform_indices = #map1}, {transform_indices = #map}]} {
    %mul3A = arith.constant 2 : i32
    %mul3A_0 = arith.muli %arg1, %mul3A : i32
    %add3A = arith.addi %mul3A_0, %arg0 : i32
    %mul3A_1 = arith.constant 80 : i32
    %mul3A_2 = arith.muli %add3A, %mul3A_1 : i32
    %broadcast_in_dim3A = arith.constant 0.000000e+00 : f32
    %broadcast_in_dim3A_3 = vector.broadcast %broadcast_in_dim3A : f32 to vector<16xf32>
    %broadcast_in_dim3A_4 = arith.constant 1.000000e+00 : f32
    %broadcast_in_dim3A_5 = vector.broadcast %broadcast_in_dim3A_4 : f32 to vector<16xf32>
    %scan3A = arith.constant 0 : i32
    %scan3A_6 = arith.constant 0 : i32
    %scan3A_7 = arith.constant 40 : i32
    %scan3A_8 = arith.addi %scan3A_6, %scan3A_7 : i32
    %scan3A_9 = arith.constant 1 : i32
    scf.for %scan3A_151 = %scan3A_6 to %scan3A_8 step %scan3A_9  : i32 {
      %mul3A_152 = arith.constant 16 : i32
      %mul3A_153 = arith.muli %scan3A_151, %mul3A_152 : i32
      %swap3A_154 = arith.index_cast %mul3A_153 : i32 to index
      %swap3A_155 = tpu.vector_load %arg20[%swap3A_154] {strides = array<i32>} : memref<640xf32, #tpu.memory_space<vmem>>, vector<16xf32>,
      %swap3A_156 = vector.shape_cast %swap3A_155 : vector<16xf32> to vector<16xf32>
      %swap3A_157 = vector.shape_cast %broadcast_in_dim3A_3 : vector<16xf32> to vector<16xf32>
      tpu.vector_store %arg20[%swap3A_154], %swap3A_157 {strides = array<i32>} : memref<640xf32, #tpu.memory_space<vmem>>, vector<16xf32>,
    }
    %scan3A_10 = arith.constant 40 : i32
    %swap3A = arith.constant 0 : index
    %swap3A_11 = tpu.vector_load %arg19[%swap3A] {strides = array<i32>} : memref<128xf32, #tpu.memory_space<vmem>>, vector<16xf32>,
    %swap3A_12 = vector.shape_cast %swap3A_11 : vector<16xf32> to vector<16xf32>
    %swap3A_13 = vector.shape_cast %broadcast_in_dim3A_5 : vector<16xf32> to vector<16xf32>
    tpu.vector_store %arg19[%swap3A], %swap3A_13 {strides = array<i32>} : memref<128xf32, #tpu.memory_space<vmem>>, vector<16xf32>,
    %swap3A_14 = arith.constant 16 : index
    %swap3A_15 = tpu.vector_load %arg19[%swap3A_14] {strides = array<i32>} : memref<128xf32, #tpu.memory_space<vmem>>, vector<16xf32>,
    %swap3A_16 = vector.shape_cast %swap3A_15 : vector<16xf32> to vector<16xf32>
    %swap3A_17 = vector.shape_cast %broadcast_in_dim3A_5 : vector<16xf32> to vector<16xf32>
    tpu.vector_store %arg19[%swap3A_14], %swap3A_17 {strides = array<i32>} : memref<128xf32, #tpu.memory_space<vmem>>, vector<16xf32>,
    %swap3A_18 = arith.constant 32 : index
    %swap3A_19 = tpu.vector_load %arg19[%swap3A_18] {strides = array<i32>} : memref<128xf32, #tpu.memory_space<vmem>>, vector<16xf32>,
    %swap3A_20 = vector.shape_cast %swap3A_19 : vector<16xf32> to vector<16xf32>
    %swap3A_21 = vector.shape_cast %broadcast_in_dim3A_5 : vector<16xf32> to vector<16xf32>
    tpu.vector_store %arg19[%swap3A_18], %swap3A_21 {strides = array<i32>} : memref<128xf32, #tpu.memory_space<vmem>>, vector<16xf32>,
    %swap3A_22 = arith.constant 48 : index
    %swap3A_23 = tpu.vector_load %arg19[%swap3A_22] {strides = array<i32>} : memref<128xf32, #tpu.memory_space<vmem>>, vector<16xf32>,
    %swap3A_24 = vector.shape_cast %swap3A_23 : vector<16xf32> to vector<16xf32>
    %swap3A_25 = vector.shape_cast %broadcast_in_dim3A_5 : vector<16xf32> to vector<16xf32>
    tpu.vector_store %arg19[%swap3A_22], %swap3A_25 {strides = array<i32>} : memref<128xf32, #tpu.memory_space<vmem>>, vector<16xf32>,
    %swap3A_26 = arith.constant 64 : index
    %swap3A_27 = tpu.vector_load %arg19[%swap3A_26] {strides = array<i32>} : memref<128xf32, #tpu.memory_space<vmem>>, vector<16xf32>,
    %swap3A_28 = vector.shape_cast %swap3A_27 : vector<16xf32> to vector<16xf32>
    %swap3A_29 = vector.shape_cast %broadcast_in_dim3A_5 : vector<16xf32> to vector<16xf32>
    tpu.vector_store %arg19[%swap3A_26], %swap3A_29 {strides = array<i32>} : memref<128xf32, #tpu.memory_space<vmem>>, vector<16xf32>,
    %swap3A_30 = arith.constant 80 : index
    %swap3A_31 = tpu.vector_load %arg19[%swap3A_30] {strides = array<i32>} : memref<128xf32, #tpu.memory_space<vmem>>, vector<16xf32>,
    %swap3A_32 = vector.shape_cast %swap3A_31 : vector<16xf32> to vector<16xf32>
    %swap3A_33 = vector.shape_cast %broadcast_in_dim3A_5 : vector<16xf32> to vector<16xf32>
    tpu.vector_store %arg19[%swap3A_30], %swap3A_33 {strides = array<i32>} : memref<128xf32, #tpu.memory_space<vmem>>, vector<16xf32>,
    %swap3A_34 = arith.constant 96 : index
    %swap3A_35 = tpu.vector_load %arg19[%swap3A_34] {strides = array<i32>} : memref<128xf32, #tpu.memory_space<vmem>>, vector<16xf32>,
    %swap3A_36 = vector.shape_cast %swap3A_35 : vector<16xf32> to vector<16xf32>
    %swap3A_37 = vector.shape_cast %broadcast_in_dim3A_5 : vector<16xf32> to vector<16xf32>
    tpu.vector_store %arg19[%swap3A_34], %swap3A_37 {strides = array<i32>} : memref<128xf32, #tpu.memory_space<vmem>>, vector<16xf32>,
    %swap3A_38 = arith.constant 112 : index
    %swap3A_39 = tpu.vector_load %arg19[%swap3A_38] {strides = array<i32>} : memref<128xf32, #tpu.memory_space<vmem>>, vector<16xf32>,
    %swap3A_40 = vector.shape_cast %swap3A_39 : vector<16xf32> to vector<16xf32>
    %swap3A_41 = vector.shape_cast %broadcast_in_dim3A_5 : vector<16xf32> to vector<16xf32>
    tpu.vector_store %arg19[%swap3A_38], %swap3A_41 {strides = array<i32>} : memref<128xf32, #tpu.memory_space<vmem>>, vector<16xf32>,
    %scan3A_42 = arith.constant 0 : i32
    %scan3A_43 = arith.constant 0 : i32
    %scan3A_44 = arith.constant 128 : i32
    %scan3A_45 = arith.addi %scan3A_43, %scan3A_44 : i32
    %scan3A_46 = arith.constant 1 : i32
    scf.for %scan3A_151 = %scan3A_43 to %scan3A_45 step %scan3A_46  : i32 {
      %swap3A_152 = arith.index_cast %scan3A_151 : i32 to index
      %swap3A_153 = arith.constant 0 : index
      %swap3A_154 = tpu.vector_load %arg17[%swap3A_152, %swap3A_153] {strides = array<i32>} : memref<128x128xf32, #tpu.memory_space<vmem>>, vector<1x16xf32>,
      %swap3A_155 = vector.shape_cast %swap3A_154 : vector<1x16xf32> to vector<16xf32>
      %swap3A_156 = vector.shape_cast %broadcast_in_dim3A_3 : vector<16xf32> to vector<1x16xf32>
      tpu.vector_store %arg17[%swap3A_152, %swap3A_153], %swap3A_156 {strides = array<i32>} : memref<128x128xf32, #tpu.memory_space<vmem>>, vector<1x16xf32>,
      %swap3A_157 = arith.index_cast %scan3A_151 : i32 to index
      %swap3A_158 = arith.constant 16 : index
      %swap3A_159 = tpu.vector_load %arg17[%swap3A_157, %swap3A_158] {strides = array<i32>} : memref<128x128xf32, #tpu.memory_space<vmem>>, vector<1x16xf32>,
      %swap3A_160 = vector.shape_cast %swap3A_159 : vector<1x16xf32> to vector<16xf32>
      %swap3A_161 = vector.shape_cast %broadcast_in_dim3A_3 : vector<16xf32> to vector<1x16xf32>
      tpu.vector_store %arg17[%swap3A_157, %swap3A_158], %swap3A_161 {strides = array<i32>} : memref<128x128xf32, #tpu.memory_space<vmem>>, vector<1x16xf32>,
      %swap3A_162 = arith.index_cast %scan3A_151 : i32 to index
      %swap3A_163 = arith.constant 32 : index
      %swap3A_164 = tpu.vector_load %arg17[%swap3A_162, %swap3A_163] {strides = array<i32>} : memref<128x128xf32, #tpu.memory_space<vmem>>, vector<1x16xf32>,
      %swap3A_165 = vector.shape_cast %swap3A_164 : vector<1x16xf32> to vector<16xf32>
      %swap3A_166 = vector.shape_cast %broadcast_in_dim3A_3 : vector<16xf32> to vector<1x16xf32>
      tpu.vector_store %arg17[%swap3A_162, %swap3A_163], %swap3A_166 {strides = array<i32>} : memref<128x128xf32, #tpu.memory_space<vmem>>, vector<1x16xf32>,
      %swap3A_167 = arith.index_cast %scan3A_151 : i32 to index
      %swap3A_168 = arith.constant 48 : index
      %swap3A_169 = tpu.vector_load %arg17[%swap3A_167, %swap3A_168] {strides = array<i32>} : memref<128x128xf32, #tpu.memory_space<vmem>>, vector<1x16xf32>,
      %swap3A_170 = vector.shape_cast %swap3A_169 : vector<1x16xf32> to vector<16xf32>
      %swap3A_171 = vector.shape_cast %broadcast_in_dim3A_3 : vector<16xf32> to vector<1x16xf32>
      tpu.vector_store %arg17[%swap3A_167, %swap3A_168], %swap3A_171 {strides = array<i32>} : memref<128x128xf32, #tpu.memory_space<vmem>>, vector<1x16xf32>,
      %swap3A_172 = arith.index_cast %scan3A_151 : i32 to index
      %swap3A_173 = arith.constant 64 : index
      %swap3A_174 = tpu.vector_load %arg17[%swap3A_172, %swap3A_173] {strides = array<i32>} : memref<128x128xf32, #tpu.memory_space<vmem>>, vector<1x16xf32>,
      %swap3A_175 = vector.shape_cast %swap3A_174 : vector<1x16xf32> to vector<16xf32>
      %swap3A_176 = vector.shape_cast %broadcast_in_dim3A_3 : vector<16xf32> to vector<1x16xf32>
      tpu.vector_store %arg17[%swap3A_172, %swap3A_173], %swap3A_176 {strides = array<i32>} : memref<128x128xf32, #tpu.memory_space<vmem>>, vector<1x16xf32>,
      %swap3A_177 = arith.index_cast %scan3A_151 : i32 to index
      %swap3A_178 = arith.constant 80 : index
      %swap3A_179 = tpu.vector_load %arg17[%swap3A_177, %swap3A_178] {strides = array<i32>} : memref<128x128xf32, #tpu.memory_space<vmem>>, vector<1x16xf32>,
      %swap3A_180 = vector.shape_cast %swap3A_179 : vector<1x16xf32> to vector<16xf32>
      %swap3A_181 = vector.shape_cast %broadcast_in_dim3A_3 : vector<16xf32> to vector<1x16xf32>
      tpu.vector_store %arg17[%swap3A_177, %swap3A_178], %swap3A_181 {strides = array<i32>} : memref<128x128xf32, #tpu.memory_space<vmem>>, vector<1x16xf32>,
      %swap3A_182 = arith.index_cast %scan3A_151 : i32 to index
      %swap3A_183 = arith.constant 96 : index
      %swap3A_184 = tpu.vector_load %arg17[%swap3A_182, %swap3A_183] {strides = array<i32>} : memref<128x128xf32, #tpu.memory_space<vmem>>, vector<1x16xf32>,
      %swap3A_185 = vector.shape_cast %swap3A_184 : vector<1x16xf32> to vector<16xf32>
      %swap3A_186 = vector.shape_cast %broadcast_in_dim3A_3 : vector<16xf32> to vector<1x16xf32>
      tpu.vector_store %arg17[%swap3A_182, %swap3A_183], %swap3A_186 {strides = array<i32>} : memref<128x128xf32, #tpu.memory_space<vmem>>, vector<1x16xf32>,
      %swap3A_187 = arith.index_cast %scan3A_151 : i32 to index
      %swap3A_188 = arith.constant 112 : index
      %swap3A_189 = tpu.vector_load %arg17[%swap3A_187, %swap3A_188] {strides = array<i32>} : memref<128x128xf32, #tpu.memory_space<vmem>>, vector<1x16xf32>,
      %swap3A_190 = vector.shape_cast %swap3A_189 : vector<1x16xf32> to vector<16xf32>
      %swap3A_191 = vector.shape_cast %broadcast_in_dim3A_3 : vector<16xf32> to vector<1x16xf32>
      tpu.vector_store %arg17[%swap3A_187, %swap3A_188], %swap3A_191 {strides = array<i32>} : memref<128x128xf32, #tpu.memory_space<vmem>>, vector<1x16xf32>,
    }
    %scan3A_47 = arith.constant 128 : i32
    %mul3A_48 = arith.constant 640 : i32
    %mul3A_49 = arith.muli %arg1, %mul3A_48 : i32
    %add3A_50 = arith.constant 0 : i32
    %add3A_51 = arith.addi %mul3A_49, %add3A_50 : i32
    "tpu.region"() ({
      %run_scoped3A = tpu.sem_alloc : memref<!tpu.dma_semaphore, #tpu.memory_space<semaphore_mem>>
      %dma_start3A_151 = arith.constant 0 : i32
      %dma_start3A_152 = tpu.memref_slice %arg7[%add3A_51, %dma_start3A_151] : memref<10240x128xf32, #tpu.memory_space<vmem_shared>> -> memref<128x128xf32, #tpu.memory_space<vmem_shared>>
      %dma_start3A_153 = arith.constant 0 : i32
      %dma_start3A_154 = tpu.memref_slice %arg7[%add3A_51, %dma_start3A_153] : memref<10240x128xf32, #tpu.memory_space<vmem_shared>> -> memref<128x128xf32, #tpu.memory_space<vmem_shared>>
      tpu.enqueue_dma source(%arg17 : memref<128x128xf32, #tpu.memory_space<vmem>>) target(%dma_start3A_154 : memref<128x128xf32, #tpu.memory_space<vmem_shared>>) target_semaphore(%run_scoped3A : memref<!tpu.dma_semaphore, #tpu.memory_space<semaphore_mem>>)
      %dma_wait3A_155 = arith.constant 0 : i32
      %dma_wait3A_156 = tpu.memref_slice %arg7[%add3A_51, %dma_wait3A_155] : memref<10240x128xf32, #tpu.memory_space<vmem_shared>> -> memref<128x128xf32, #tpu.memory_space<vmem_shared>>
      %dma_wait3A_157 = arith.constant 0 : i32
      %dma_wait3A_158 = tpu.memref_slice %arg7[%add3A_51, %dma_wait3A_157] : memref<10240x128xf32, #tpu.memory_space<vmem_shared>> -> memref<128x128xf32, #tpu.memory_space<vmem_shared>>
      tpu.wait_dma2 semaphore(%run_scoped3A : memref<!tpu.dma_semaphore, #tpu.memory_space<semaphore_mem>>) src(%arg17 : memref<128x128xf32, #tpu.memory_space<vmem>>) dst(%dma_wait3A_158 : memref<128x128xf32, #tpu.memory_space<vmem_shared>>)
      tpu.yield
    }) : () -> ()
    %add3A_52 = arith.constant 128 : i32
    %add3A_53 = arith.addi %mul3A_49, %add3A_52 : i32
    "tpu.region"() ({
      %run_scoped3A = tpu.sem_alloc : memref<!tpu.dma_semaphore, #tpu.memory_space<semaphore_mem>>
      %dma_start3A_151 = arith.constant 0 : i32
      %dma_start3A_152 = tpu.memref_slice %arg7[%add3A_53, %dma_start3A_151] : memref<10240x128xf32, #tpu.memory_space<vmem_shared>> -> memref<128x128xf32, #tpu.memory_space<vmem_shared>>
      %dma_start3A_153 = arith.constant 0 : i32
      %dma_start3A_154 = tpu.memref_slice %arg7[%add3A_53, %dma_start3A_153] : memref<10240x128xf32, #tpu.memory_space<vmem_shared>> -> memref<128x128xf32, #tpu.memory_space<vmem_shared>>
      tpu.enqueue_dma source(%arg17 : memref<128x128xf32, #tpu.memory_space<vmem>>) target(%dma_start3A_154 : memref<128x128xf32, #tpu.memory_space<vmem_shared>>) target_semaphore(%run_scoped3A : memref<!tpu.dma_semaphore, #tpu.memory_space<semaphore_mem>>)
      %dma_wait3A_155 = arith.constant 0 : i32
      %dma_wait3A_156 = tpu.memref_slice %arg7[%add3A_53, %dma_wait3A_155] : memref<10240x128xf32, #tpu.memory_space<vmem_shared>> -> memref<128x128xf32, #tpu.memory_space<vmem_shared>>
      %dma_wait3A_157 = arith.constant 0 : i32
      %dma_wait3A_158 = tpu.memref_slice %arg7[%add3A_53, %dma_wait3A_157] : memref<10240x128xf32, #tpu.memory_space<vmem_shared>> -> memref<128x128xf32, #tpu.memory_space<vmem_shared>>
      tpu.wait_dma2 semaphore(%run_scoped3A : memref<!tpu.dma_semaphore, #tpu.memory_space<semaphore_mem>>) src(%arg17 : memref<128x128xf32, #tpu.memory_space<vmem>>) dst(%dma_wait3A_158 : memref<128x128xf32, #tpu.memory_space<vmem_shared>>)
      tpu.yield
    }) : () -> ()
    %add3A_54 = arith.constant 256 : i32
    %add3A_55 = arith.addi %mul3A_49, %add3A_54 : i32
    "tpu.region"() ({
      %run_scoped3A = tpu.sem_alloc : memref<!tpu.dma_semaphore, #tpu.memory_space<semaphore_mem>>
      %dma_start3A_151 = arith.constant 0 : i32
      %dma_start3A_152 = tpu.memref_slice %arg7[%add3A_55, %dma_start3A_151] : memref<10240x128xf32, #tpu.memory_space<vmem_shared>> -> memref<128x128xf32, #tpu.memory_space<vmem_shared>>
      %dma_start3A_153 = arith.constant 0 : i32
      %dma_start3A_154 = tpu.memref_slice %arg7[%add3A_55, %dma_start3A_153] : memref<10240x128xf32, #tpu.memory_space<vmem_shared>> -> memref<128x128xf32, #tpu.memory_space<vmem_shared>>
      tpu.enqueue_dma source(%arg17 : memref<128x128xf32, #tpu.memory_space<vmem>>) target(%dma_start3A_154 : memref<128x128xf32, #tpu.memory_space<vmem_shared>>) target_semaphore(%run_scoped3A : memref<!tpu.dma_semaphore, #tpu.memory_space<semaphore_mem>>)
      %dma_wait3A_155 = arith.constant 0 : i32
      %dma_wait3A_156 = tpu.memref_slice %arg7[%add3A_55, %dma_wait3A_155] : memref<10240x128xf32, #tpu.memory_space<vmem_shared>> -> memref<128x128xf32, #tpu.memory_space<vmem_shared>>
      %dma_wait3A_157 = arith.constant 0 : i32
      %dma_wait3A_158 = tpu.memref_slice %arg7[%add3A_55, %dma_wait3A_157] : memref<10240x128xf32, #tpu.memory_space<vmem_shared>> -> memref<128x128xf32, #tpu.memory_space<vmem_shared>>
      tpu.wait_dma2 semaphore(%run_scoped3A : memref<!tpu.dma_semaphore, #tpu.memory_space<semaphore_mem>>) src(%arg17 : memref<128x128xf32, #tpu.memory_space<vmem>>) dst(%dma_wait3A_158 : memref<128x128xf32, #tpu.memory_space<vmem_shared>>)
      tpu.yield
    }) : () -> ()
    %add3A_56 = arith.constant 384 : i32
    %add3A_57 = arith.addi %mul3A_49, %add3A_56 : i32
    "tpu.region"() ({
      %run_scoped3A = tpu.sem_alloc : memref<!tpu.dma_semaphore, #tpu.memory_space<semaphore_mem>>
      %dma_start3A_151 = arith.constant 0 : i32
      %dma_start3A_152 = tpu.memref_slice %arg7[%add3A_57, %dma_start3A_151] : memref<10240x128xf32, #tpu.memory_space<vmem_shared>> -> memref<128x128xf32, #tpu.memory_space<vmem_shared>>
      %dma_start3A_153 = arith.constant 0 : i32
      %dma_start3A_154 = tpu.memref_slice %arg7[%add3A_57, %dma_start3A_153] : memref<10240x128xf32, #tpu.memory_space<vmem_shared>> -> memref<128x128xf32, #tpu.memory_space<vmem_shared>>
      tpu.enqueue_dma source(%arg17 : memref<128x128xf32, #tpu.memory_space<vmem>>) target(%dma_start3A_154 : memref<128x128xf32, #tpu.memory_space<vmem_shared>>) target_semaphore(%run_scoped3A : memref<!tpu.dma_semaphore, #tpu.memory_space<semaphore_mem>>)
      %dma_wait3A_155 = arith.constant 0 : i32
      %dma_wait3A_156 = tpu.memref_slice %arg7[%add3A_57, %dma_wait3A_155] : memref<10240x128xf32, #tpu.memory_space<vmem_shared>> -> memref<128x128xf32, #tpu.memory_space<vmem_shared>>
      %dma_wait3A_157 = arith.constant 0 : i32
      %dma_wait3A_158 = tpu.memref_slice %arg7[%add3A_57, %dma_wait3A_157] : memref<10240x128xf32, #tpu.memory_space<vmem_shared>> -> memref<128x128xf32, #tpu.memory_space<vmem_shared>>
      tpu.wait_dma2 semaphore(%run_scoped3A : memref<!tpu.dma_semaphore, #tpu.memory_space<semaphore_mem>>) src(%arg17 : memref<128x128xf32, #tpu.memory_space<vmem>>) dst(%dma_wait3A_158 : memref<128x128xf32, #tpu.memory_space<vmem_shared>>)
      tpu.yield
    }) : () -> ()
    %add3A_58 = arith.constant 512 : i32
    %add3A_59 = arith.addi %mul3A_49, %add3A_58 : i32
    "tpu.region"() ({
      %run_scoped3A = tpu.sem_alloc : memref<!tpu.dma_semaphore, #tpu.memory_space<semaphore_mem>>
      %dma_start3A_151 = arith.constant 0 : i32
      %dma_start3A_152 = tpu.memref_slice %arg7[%add3A_59, %dma_start3A_151] : memref<10240x128xf32, #tpu.memory_space<vmem_shared>> -> memref<128x128xf32, #tpu.memory_space<vmem_shared>>
      %dma_start3A_153 = arith.constant 0 : i32
      %dma_start3A_154 = tpu.memref_slice %arg7[%add3A_59, %dma_start3A_153] : memref<10240x128xf32, #tpu.memory_space<vmem_shared>> -> memref<128x128xf32, #tpu.memory_space<vmem_shared>>
      tpu.enqueue_dma source(%arg17 : memref<128x128xf32, #tpu.memory_space<vmem>>) target(%dma_start3A_154 : memref<128x128xf32, #tpu.memory_space<vmem_shared>>) target_semaphore(%run_scoped3A : memref<!tpu.dma_semaphore, #tpu.memory_space<semaphore_mem>>)
      %dma_wait3A_155 = arith.constant 0 : i32
      %dma_wait3A_156 = tpu.memref_slice %arg7[%add3A_59, %dma_wait3A_155] : memref<10240x128xf32, #tpu.memory_space<vmem_shared>> -> memref<128x128xf32, #tpu.memory_space<vmem_shared>>
      %dma_wait3A_157 = arith.constant 0 : i32
      %dma_wait3A_158 = tpu.memref_slice %arg7[%add3A_59, %dma_wait3A_157] : memref<10240x128xf32, #tpu.memory_space<vmem_shared>> -> memref<128x128xf32, #tpu.memory_space<vmem_shared>>
      tpu.wait_dma2 semaphore(%run_scoped3A : memref<!tpu.dma_semaphore, #tpu.memory_space<semaphore_mem>>) src(%arg17 : memref<128x128xf32, #tpu.memory_space<vmem>>) dst(%dma_wait3A_158 : memref<128x128xf32, #tpu.memory_space<vmem_shared>>)
      tpu.yield
    }) : () -> ()
    "tpu.region"() ({
      %run_scoped3A = tpu.sem_alloc : memref<!tpu.dma_semaphore, #tpu.memory_space<semaphore_mem>>
      %dma_start3A_151 = tpu.memref_slice %arg8[%mul3A_49] : memref<10240xf32, #tpu.memory_space<vmem_shared>> -> memref<640xf32, #tpu.memory_space<vmem_shared>>
      %dma_start3A_152 = tpu.memref_slice %arg8[%mul3A_49] : memref<10240xf32, #tpu.memory_space<vmem_shared>> -> memref<640xf32, #tpu.memory_space<vmem_shared>>
      tpu.enqueue_dma source(%arg20 : memref<640xf32, #tpu.memory_space<vmem>>) target(%dma_start3A_152 : memref<640xf32, #tpu.memory_space<vmem_shared>>) target_semaphore(%run_scoped3A : memref<!tpu.dma_semaphore, #tpu.memory_space<semaphore_mem>>)
      %dma_wait3A_153 = tpu.memref_slice %arg8[%mul3A_49] : memref<10240xf32, #tpu.memory_space<vmem_shared>> -> memref<640xf32, #tpu.memory_space<vmem_shared>>
      %dma_wait3A_154 = tpu.memref_slice %arg8[%mul3A_49] : memref<10240xf32, #tpu.memory_space<vmem_shared>> -> memref<640xf32, #tpu.memory_space<vmem_shared>>
      tpu.wait_dma2 semaphore(%run_scoped3A : memref<!tpu.dma_semaphore, #tpu.memory_space<semaphore_mem>>) src(%arg20 : memref<640xf32, #tpu.memory_space<vmem>>) dst(%dma_wait3A_154 : memref<640xf32, #tpu.memory_space<vmem_shared>>)
      tpu.yield
    }) : () -> ()
    %barrier3A = arith.constant 0 : index
    tpu.barrier barrier_id(%barrier3A)
    %add3A_60 = arith.constant 0 : i32
    %add3A_61 = arith.addi %mul3A_2, %add3A_60 : i32
    %dma_start3A = arith.constant 0 : i32
    %dma_start3A_62 = tpu.memref_slice %arg3[%add3A_61, %dma_start3A] : memref<2560x128xi32, #tpu.memory_space<hbm>> -> memref<1x128xi32, #tpu.memory_space<hbm>>
    %dma_start3A_63 = tpu.memref_squeeze %dma_start3A_62 : memref<1x128xi32, #tpu.memory_space<hbm>> -> memref<128xi32, #tpu.memory_space<hbm>>
    %dma_start3A_64 = arith.constant 0 : i32
    %dma_start3A_65 = tpu.memref_slice %arg3[%add3A_61, %dma_start3A_64] : memref<2560x128xi32, #tpu.memory_space<hbm>> -> memref<1x128xi32, #tpu.memory_space<hbm>>
    %dma_start3A_66 = tpu.memref_squeeze %dma_start3A_65 : memref<1x128xi32, #tpu.memory_space<hbm>> -> memref<128xi32, #tpu.memory_space<hbm>>
    tpu.enqueue_dma source(%dma_start3A_66 : memref<128xi32, #tpu.memory_space<hbm>>) target(%arg13 : memref<128xi32, #tpu.memory_space<vmem>>) target_semaphore(%arg29 : memref<!tpu.dma_semaphore, #tpu.memory_space<semaphore_mem>>)
    %add3A_67 = arith.constant 0 : i32
    %add3A_68 = arith.addi %mul3A_2, %add3A_67 : i32
    %dma_start3A_69 = arith.constant 0 : i32
    %dma_start3A_70 = tpu.memref_slice %arg4[%add3A_68, %dma_start3A_69] : memref<2560x128xi32, #tpu.memory_space<hbm>> -> memref<1x128xi32, #tpu.memory_space<hbm>>
    %dma_start3A_71 = tpu.memref_squeeze %dma_start3A_70 : memref<1x128xi32, #tpu.memory_space<hbm>> -> memref<128xi32, #tpu.memory_space<hbm>>
    %dma_start3A_72 = arith.constant 0 : i32
    %dma_start3A_73 = tpu.memref_slice %arg4[%add3A_68, %dma_start3A_72] : memref<2560x128xi32, #tpu.memory_space<hbm>> -> memref<1x128xi32, #tpu.memory_space<hbm>>
    %dma_start3A_74 = tpu.memref_squeeze %dma_start3A_73 : memref<1x128xi32, #tpu.memory_space<hbm>> -> memref<128xi32, #tpu.memory_space<hbm>>
    tpu.enqueue_dma source(%dma_start3A_74 : memref<128xi32, #tpu.memory_space<hbm>>) target(%arg9 : memref<128xi32, #tpu.memory_space<vmem>>) target_semaphore(%arg33 : memref<!tpu.dma_semaphore, #tpu.memory_space<semaphore_mem>>)
    %add3A_75 = arith.constant 1 : i32
    %add3A_76 = arith.addi %mul3A_2, %add3A_75 : i32
    %dma_start3A_77 = arith.constant 0 : i32
    %dma_start3A_78 = tpu.memref_slice %arg3[%add3A_76, %dma_start3A_77] : memref<2560x128xi32, #tpu.memory_space<hbm>> -> memref<1x128xi32, #tpu.memory_space<hbm>>
    %dma_start3A_79 = tpu.memref_squeeze %dma_start3A_78 : memref<1x128xi32, #tpu.memory_space<hbm>> -> memref<128xi32, #tpu.memory_space<hbm>>
    %dma_start3A_80 = arith.constant 0 : i32
    %dma_start3A_81 = tpu.memref_slice %arg3[%add3A_76, %dma_start3A_80] : memref<2560x128xi32, #tpu.memory_space<hbm>> -> memref<1x128xi32, #tpu.memory_space<hbm>>
    %dma_start3A_82 = tpu.memref_squeeze %dma_start3A_81 : memref<1x128xi32, #tpu.memory_space<hbm>> -> memref<128xi32, #tpu.memory_space<hbm>>
    tpu.enqueue_dma source(%dma_start3A_82 : memref<128xi32, #tpu.memory_space<hbm>>) target(%arg14 : memref<128xi32, #tpu.memory_space<vmem>>) target_semaphore(%arg30 : memref<!tpu.dma_semaphore, #tpu.memory_space<semaphore_mem>>)
    %add3A_83 = arith.constant 1 : i32
    %add3A_84 = arith.addi %mul3A_2, %add3A_83 : i32
    %dma_start3A_85 = arith.constant 0 : i32
    %dma_start3A_86 = tpu.memref_slice %arg4[%add3A_84, %dma_start3A_85] : memref<2560x128xi32, #tpu.memory_space<hbm>> -> memref<1x128xi32, #tpu.memory_space<hbm>>
    %dma_start3A_87 = tpu.memref_squeeze %dma_start3A_86 : memref<1x128xi32, #tpu.memory_space<hbm>> -> memref<128xi32, #tpu.memory_space<hbm>>
    %dma_start3A_88 = arith.constant 0 : i32
    %dma_start3A_89 = tpu.memref_slice %arg4[%add3A_84, %dma_start3A_88] : memref<2560x128xi32, #tpu.memory_space<hbm>> -> memref<1x128xi32, #tpu.memory_space<hbm>>
    %dma_start3A_90 = tpu.memref_squeeze %dma_start3A_89 : memref<1x128xi32, #tpu.memory_space<hbm>> -> memref<128xi32, #tpu.memory_space<hbm>>
    tpu.enqueue_dma source(%dma_start3A_90 : memref<128xi32, #tpu.memory_space<hbm>>) target(%arg10 : memref<128xi32, #tpu.memory_space<vmem>>) target_semaphore(%arg34 : memref<!tpu.dma_semaphore, #tpu.memory_space<semaphore_mem>>)
    %add3A_91 = arith.constant 2 : i32
    %add3A_92 = arith.addi %mul3A_2, %add3A_91 : i32
    %dma_start3A_93 = arith.constant 0 : i32
    %dma_start3A_94 = tpu.memref_slice %arg3[%add3A_92, %dma_start3A_93] : memref<2560x128xi32, #tpu.memory_space<hbm>> -> memref<1x128xi32, #tpu.memory_space<hbm>>
    %dma_start3A_95 = tpu.memref_squeeze %dma_start3A_94 : memref<1x128xi32, #tpu.memory_space<hbm>> -> memref<128xi32, #tpu.memory_space<hbm>>
    %dma_start3A_96 = arith.constant 0 : i32
    %dma_start3A_97 = tpu.memref_slice %arg3[%add3A_92, %dma_start3A_96] : memref<2560x128xi32, #tpu.memory_space<hbm>> -> memref<1x128xi32, #tpu.memory_space<hbm>>
    %dma_start3A_98 = tpu.memref_squeeze %dma_start3A_97 : memref<1x128xi32, #tpu.memory_space<hbm>> -> memref<128xi32, #tpu.memory_space<hbm>>
    tpu.enqueue_dma source(%dma_start3A_98 : memref<128xi32, #tpu.memory_space<hbm>>) target(%arg15 : memref<128xi32, #tpu.memory_space<vmem>>) target_semaphore(%arg31 : memref<!tpu.dma_semaphore, #tpu.memory_space<semaphore_mem>>)
    %add3A_99 = arith.constant 2 : i32
    %add3A_100 = arith.addi %mul3A_2, %add3A_99 : i32
    %dma_start3A_101 = arith.constant 0 : i32
    %dma_start3A_102 = tpu.memref_slice %arg4[%add3A_100, %dma_start3A_101] : memref<2560x128xi32, #tpu.memory_space<hbm>> -> memref<1x128xi32, #tpu.memory_space<hbm>>
    %dma_start3A_103 = tpu.memref_squeeze %dma_start3A_102 : memref<1x128xi32, #tpu.memory_space<hbm>> -> memref<128xi32, #tpu.memory_space<hbm>>
    %dma_start3A_104 = arith.constant 0 : i32
    %dma_start3A_105 = tpu.memref_slice %arg4[%add3A_100, %dma_start3A_104] : memref<2560x128xi32, #tpu.memory_space<hbm>> -> memref<1x128xi32, #tpu.memory_space<hbm>>
    %dma_start3A_106 = tpu.memref_squeeze %dma_start3A_105 : memref<1x128xi32, #tpu.memory_space<hbm>> -> memref<128xi32, #tpu.memory_space<hbm>>
    tpu.enqueue_dma source(%dma_start3A_106 : memref<128xi32, #tpu.memory_space<hbm>>) target(%arg11 : memref<128xi32, #tpu.memory_space<vmem>>) target_semaphore(%arg35 : memref<!tpu.dma_semaphore, #tpu.memory_space<semaphore_mem>>)
    %add3A_107 = arith.constant 3 : i32
    %add3A_108 = arith.addi %mul3A_2, %add3A_107 : i32
    %dma_start3A_109 = arith.constant 0 : i32
    %dma_start3A_110 = tpu.memref_slice %arg3[%add3A_108, %dma_start3A_109] : memref<2560x128xi32, #tpu.memory_space<hbm>> -> memref<1x128xi32, #tpu.memory_space<hbm>>
    %dma_start3A_111 = tpu.memref_squeeze %dma_start3A_110 : memref<1x128xi32, #tpu.memory_space<hbm>> -> memref<128xi32, #tpu.memory_space<hbm>>
    %dma_start3A_112 = arith.constant 0 : i32
    %dma_start3A_113 = tpu.memref_slice %arg3[%add3A_108, %dma_start3A_112] : memref<2560x128xi32, #tpu.memory_space<hbm>> -> memref<1x128xi32, #tpu.memory_space<hbm>>
    %dma_start3A_114 = tpu.memref_squeeze %dma_start3A_113 : memref<1x128xi32, #tpu.memory_space<hbm>> -> memref<128xi32, #tpu.memory_space<hbm>>
    tpu.enqueue_dma source(%dma_start3A_114 : memref<128xi32, #tpu.memory_space<hbm>>) target(%arg16 : memref<128xi32, #tpu.memory_space<vmem>>) target_semaphore(%arg32 : memref<!tpu.dma_semaphore, #tpu.memory_space<semaphore_mem>>)
    %add3A_115 = arith.constant 3 : i32
    %add3A_116 = arith.addi %mul3A_2, %add3A_115 : i32
    %dma_start3A_117 = arith.constant 0 : i32
    %dma_start3A_118 = tpu.memref_slice %arg4[%add3A_116, %dma_start3A_117] : memref<2560x128xi32, #tpu.memory_space<hbm>> -> memref<1x128xi32, #tpu.memory_space<hbm>>
    %dma_start3A_119 = tpu.memref_squeeze %dma_start3A_118 : memref<1x128xi32, #tpu.memory_space<hbm>> -> memref<128xi32, #tpu.memory_space<hbm>>
    %dma_start3A_120 = arith.constant 0 : i32
    %dma_start3A_121 = tpu.memref_slice %arg4[%add3A_116, %dma_start3A_120] : memref<2560x128xi32, #tpu.memory_space<hbm>> -> memref<1x128xi32, #tpu.memory_space<hbm>>
    %dma_start3A_122 = tpu.memref_squeeze %dma_start3A_121 : memref<1x128xi32, #tpu.memory_space<hbm>> -> memref<128xi32, #tpu.memory_space<hbm>>
    tpu.enqueue_dma source(%dma_start3A_122 : memref<128xi32, #tpu.memory_space<hbm>>) target(%arg12 : memref<128xi32, #tpu.memory_space<vmem>>) target_semaphore(%arg36 : memref<!tpu.dma_semaphore, #tpu.memory_space<semaphore_mem>>)
    %add3A_123 = arith.constant 0 : i32
    %add3A_124 = arith.addi %mul3A_2, %add3A_123 : i32
    %dma_wait3A = arith.constant 0 : i32
    %dma_wait3A_125 = tpu.memref_slice %arg3[%add3A_124, %dma_wait3A] : memref<2560x128xi32, #tpu.memory_space<hbm>> -> memref<1x128xi32, #tpu.memory_space<hbm>>
    %dma_wait3A_126 = tpu.memref_squeeze %dma_wait3A_125 : memref<1x128xi32, #tpu.memory_space<hbm>> -> memref<128xi32, #tpu.memory_space<hbm>>
    %dma_wait3A_127 = arith.constant 0 : i32
    %dma_wait3A_128 = tpu.memref_slice %arg3[%add3A_124, %dma_wait3A_127] : memref<2560x128xi32, #tpu.memory_space<hbm>> -> memref<1x128xi32, #tpu.memory_space<hbm>>
    %dma_wait3A_129 = tpu.memref_squeeze %dma_wait3A_128 : memref<1x128xi32, #tpu.memory_space<hbm>> -> memref<128xi32, #tpu.memory_space<hbm>>
    tpu.wait_dma2 semaphore(%arg29 : memref<!tpu.dma_semaphore, #tpu.memory_space<semaphore_mem>>) src(%dma_wait3A_129 : memref<128xi32, #tpu.memory_space<hbm>>) dst(%arg13 : memref<128xi32, #tpu.memory_space<vmem>>)
    %dma_start3A_130 = arith.constant 0 : i32
    %dma_start3A_131 = arith.constant 0 : i32
    %dma_start3A_132 = tpu.memref_slice %arg2[%dma_start3A_130, %dma_start3A_131] : memref<10000x128xf32, #tpu.memory_space<hbm>> -> memref<10000x128xf32, #tpu.memory_space<hbm>>
    tpu.enqueue_indirect_dma source(%dma_start3A_132 : memref<10000x128xf32, #tpu.memory_space<hbm>>) target(%arg17 : memref<128x128xf32, #tpu.memory_space<vmem>>) offsets(%arg13 : memref<128xi32, #tpu.memory_space<vmem>>) semaphore(%arg21 : memref<!tpu.dma_semaphore, #tpu.memory_space<semaphore_mem>>)
    %add3A_133 = arith.constant 1 : i32
    %add3A_134 = arith.addi %mul3A_2, %add3A_133 : i32
    %dma_wait3A_135 = arith.constant 0 : i32
    %dma_wait3A_136 = tpu.memref_slice %arg3[%add3A_134, %dma_wait3A_135] : memref<2560x128xi32, #tpu.memory_space<hbm>> -> memref<1x128xi32, #tpu.memory_space<hbm>>
    %dma_wait3A_137 = tpu.memref_squeeze %dma_wait3A_136 : memref<1x128xi32, #tpu.memory_space<hbm>> -> memref<128xi32, #tpu.memory_space<hbm>>
    %dma_wait3A_138 = arith.constant 0 : i32
    %dma_wait3A_139 = tpu.memref_slice %arg3[%add3A_134, %dma_wait3A_138] : memref<2560x128xi32, #tpu.memory_space<hbm>> -> memref<1x128xi32, #tpu.memory_space<hbm>>
    %dma_wait3A_140 = tpu.memref_squeeze %dma_wait3A_139 : memref<1x128xi32, #tpu.memory_space<hbm>> -> memref<128xi32, #tpu.memory_space<hbm>>
    tpu.wait_dma2 semaphore(%arg30 : memref<!tpu.dma_semaphore, #tpu.memory_space<semaphore_mem>>) src(%dma_wait3A_140 : memref<128xi32, #tpu.memory_space<hbm>>) dst(%arg14 : memref<128xi32, #tpu.memory_space<vmem>>)
    %dma_start3A_141 = arith.constant 0 : i32
    %dma_start3A_142 = arith.constant 0 : i32
    %dma_start3A_143 = tpu.memref_slice %arg2[%dma_start3A_141, %dma_start3A_142] : memref<10000x128xf32, #tpu.memory_space<hbm>> -> memref<10000x128xf32, #tpu.memory_space<hbm>>
    tpu.enqueue_indirect_dma source(%dma_start3A_143 : memref<10000x128xf32, #tpu.memory_space<hbm>>) target(%arg18 : memref<128x128xf32, #tpu.memory_space<vmem>>) offsets(%arg14 : memref<128xi32, #tpu.memory_space<vmem>>) semaphore(%arg22 : memref<!tpu.dma_semaphore, #tpu.memory_space<semaphore_mem>>)
    %scan3A_144 = arith.constant 0 : i32
    %scan3A_145 = arith.constant 0 : i32
    %scan3A_146 = arith.constant 20 : i32
    %scan3A_147 = arith.addi %scan3A_145, %scan3A_146 : i32
    %scan3A_148 = arith.constant 1 : i32
    scf.for %scan3A_151 = %scan3A_145 to %scan3A_147 step %scan3A_148  : i32 {
      %mul3A_152 = arith.constant 4 : i32
      %mul3A_153 = arith.muli %scan3A_151, %mul3A_152 : i32
      %add3A_154 = arith.constant 0 : i32
      %add3A_155 = arith.addi %mul3A_153, %add3A_154 : i32
      %dma_wait3A_156 = arith.constant 0 : i32
      %dma_wait3A_157 = arith.constant 0 : i32
      %dma_wait3A_158 = tpu.memref_slice %arg2[%dma_wait3A_156, %dma_wait3A_157] : memref<10000x128xf32, #tpu.memory_space<hbm>> -> memref<10000x128xf32, #tpu.memory_space<hbm>>
      tpu.wait_indirect_dma semaphore(%arg21 : memref<!tpu.dma_semaphore, #tpu.memory_space<semaphore_mem>>) src(%dma_wait3A_158 : memref<10000x128xf32, #tpu.memory_space<hbm>>) dst(%arg17 : memref<128x128xf32, #tpu.memory_space<vmem>>)
      %add3A_159 = arith.addi %mul3A_2, %add3A_155 : i32
      %dma_wait3A_160 = arith.constant 0 : i32
      %dma_wait3A_161 = tpu.memref_slice %arg4[%add3A_159, %dma_wait3A_160] : memref<2560x128xi32, #tpu.memory_space<hbm>> -> memref<1x128xi32, #tpu.memory_space<hbm>>
      %dma_wait3A_162 = tpu.memref_squeeze %dma_wait3A_161 : memref<1x128xi32, #tpu.memory_space<hbm>> -> memref<128xi32, #tpu.memory_space<hbm>>
      %dma_wait3A_163 = arith.constant 0 : i32
      %dma_wait3A_164 = tpu.memref_slice %arg4[%add3A_159, %dma_wait3A_163] : memref<2560x128xi32, #tpu.memory_space<hbm>> -> memref<1x128xi32, #tpu.memory_space<hbm>>
      %dma_wait3A_165 = tpu.memref_squeeze %dma_wait3A_164 : memref<1x128xi32, #tpu.memory_space<hbm>> -> memref<128xi32, #tpu.memory_space<hbm>>
      tpu.wait_dma2 semaphore(%arg33 : memref<!tpu.dma_semaphore, #tpu.memory_space<semaphore_mem>>) src(%dma_wait3A_165 : memref<128xi32, #tpu.memory_space<hbm>>) dst(%arg9 : memref<128xi32, #tpu.memory_space<vmem>>)
      %dma_start3A_166 = arith.constant 0 : i32
      %dma_start3A_167 = arith.constant 0 : i32
      %dma_start3A_168 = tpu.memref_slice %arg7[%dma_start3A_166, %dma_start3A_167] : memref<10240x128xf32, #tpu.memory_space<vmem_shared>> -> memref<10240x128xf32, #tpu.memory_space<vmem_shared>>
      tpu.enqueue_indirect_dma source(%arg17 : memref<128x128xf32, #tpu.memory_space<vmem>>) target(%dma_start3A_168 : memref<10240x128xf32, #tpu.memory_space<vmem_shared>>) offsets(%arg9 : memref<128xi32, #tpu.memory_space<vmem>>) semaphore(%arg23 : memref<!tpu.dma_semaphore, #tpu.memory_space<semaphore_mem>>) {add = true}
      %dma_start3A_169 = arith.constant 0 : i32
      %dma_start3A_170 = tpu.memref_slice %arg8[%dma_start3A_169] : memref<10240xf32, #tpu.memory_space<vmem_shared>> -> memref<10240xf32, #tpu.memory_space<vmem_shared>>
      tpu.enqueue_indirect_dma source(%arg19 : memref<128xf32, #tpu.memory_space<vmem>>) target(%dma_start3A_170 : memref<10240xf32, #tpu.memory_space<vmem_shared>>) offsets(%arg9 : memref<128xi32, #tpu.memory_space<vmem>>) semaphore(%arg25 : memref<!tpu.dma_semaphore, #tpu.memory_space<semaphore_mem>>) {add = true}
      %dma_wait3A_171 = arith.constant 0 : i32
      %dma_wait3A_172 = arith.constant 0 : i32
      %dma_wait3A_173 = tpu.memref_slice %arg7[%dma_wait3A_171, %dma_wait3A_172] : memref<10240x128xf32, #tpu.memory_space<vmem_shared>> -> memref<10240x128xf32, #tpu.memory_space<vmem_shared>>
      tpu.wait_indirect_dma semaphore(%arg23 : memref<!tpu.dma_semaphore, #tpu.memory_space<semaphore_mem>>) src(%arg17 : memref<128x128xf32, #tpu.memory_space<vmem>>) dst(%dma_wait3A_173 : memref<10240x128xf32, #tpu.memory_space<vmem_shared>>)
      %dma_wait3A_174 = arith.constant 0 : i32
      %dma_wait3A_175 = tpu.memref_slice %arg8[%dma_wait3A_174] : memref<10240xf32, #tpu.memory_space<vmem_shared>> -> memref<10240xf32, #tpu.memory_space<vmem_shared>>
      tpu.wait_indirect_dma semaphore(%arg25 : memref<!tpu.dma_semaphore, #tpu.memory_space<semaphore_mem>>) src(%arg19 : memref<128xf32, #tpu.memory_space<vmem>>) dst(%dma_wait3A_175 : memref<10240xf32, #tpu.memory_space<vmem_shared>>)
      %add3A_176 = arith.constant 4 : i32
      %add3A_177 = arith.addi %add3A_155, %add3A_176 : i32
      %lt3A = arith.constant 80 : i32
      %lt3A_178 = arith.cmpi slt, %add3A_177, %lt3A : i32
      %convert_element_type3A = arith.extui %lt3A_178 : i1 to i32
      %cond3A = arith.constant 0 : i32
      %cond3A_179 = arith.cmpi ne, %convert_element_type3A, %cond3A : i32
      scf.if %cond3A_179 {
        %add3A_301 = arith.addi %mul3A_2, %add3A_155 : i32
        %add3A_302 = arith.constant 4 : i32
        %add3A_303 = arith.addi %add3A_301, %add3A_302 : i32
        %dma_start3A_304 = arith.constant 0 : i32
        %dma_start3A_305 = tpu.memref_slice %arg3[%add3A_303, %dma_start3A_304] : memref<2560x128xi32, #tpu.memory_space<hbm>> -> memref<1x128xi32, #tpu.memory_space<hbm>>
        %dma_start3A_306 = tpu.memref_squeeze %dma_start3A_305 : memref<1x128xi32, #tpu.memory_space<hbm>> -> memref<128xi32, #tpu.memory_space<hbm>>
        %dma_start3A_307 = arith.constant 0 : i32
        %dma_start3A_308 = tpu.memref_slice %arg3[%add3A_303, %dma_start3A_307] : memref<2560x128xi32, #tpu.memory_space<hbm>> -> memref<1x128xi32, #tpu.memory_space<hbm>>
        %dma_start3A_309 = tpu.memref_squeeze %dma_start3A_308 : memref<1x128xi32, #tpu.memory_space<hbm>> -> memref<128xi32, #tpu.memory_space<hbm>>
        tpu.enqueue_dma source(%dma_start3A_309 : memref<128xi32, #tpu.memory_space<hbm>>) target(%arg13 : memref<128xi32, #tpu.memory_space<vmem>>) target_semaphore(%arg29 : memref<!tpu.dma_semaphore, #tpu.memory_space<semaphore_mem>>)
        %add3A_310 = arith.addi %mul3A_2, %add3A_155 : i32
        %add3A_311 = arith.constant 4 : i32
        %add3A_312 = arith.addi %add3A_310, %add3A_311 : i32
        %dma_start3A_313 = arith.constant 0 : i32
        %dma_start3A_314 = tpu.memref_slice %arg4[%add3A_312, %dma_start3A_313] : memref<2560x128xi32, #tpu.memory_space<hbm>> -> memref<1x128xi32, #tpu.memory_space<hbm>>
        %dma_start3A_315 = tpu.memref_squeeze %dma_start3A_314 : memref<1x128xi32, #tpu.memory_space<hbm>> -> memref<128xi32, #tpu.memory_space<hbm>>
        %dma_start3A_316 = arith.constant 0 : i32
        %dma_start3A_317 = tpu.memref_slice %arg4[%add3A_312, %dma_start3A_316] : memref<2560x128xi32, #tpu.memory_space<hbm>> -> memref<1x128xi32, #tpu.memory_space<hbm>>
        %dma_start3A_318 = tpu.memref_squeeze %dma_start3A_317 : memref<1x128xi32, #tpu.memory_space<hbm>> -> memref<128xi32, #tpu.memory_space<hbm>>
        tpu.enqueue_dma source(%dma_start3A_318 : memref<128xi32, #tpu.memory_space<hbm>>) target(%arg9 : memref<128xi32, #tpu.memory_space<vmem>>) target_semaphore(%arg33 : memref<!tpu.dma_semaphore, #tpu.memory_space<semaphore_mem>>)
      } else {
      }
      %add3A_180 = arith.constant 2 : i32
      %add3A_181 = arith.addi %add3A_155, %add3A_180 : i32
      %lt3A_182 = arith.constant 80 : i32
      %lt3A_183 = arith.cmpi slt, %add3A_181, %lt3A_182 : i32
      %convert_element_type3A_184 = arith.extui %lt3A_183 : i1 to i32
      %cond3A_185 = arith.constant 0 : i32
      %cond3A_186 = arith.cmpi ne, %convert_element_type3A_184, %cond3A_185 : i32
      scf.if %cond3A_186 {
        %add3A_301 = arith.addi %mul3A_2, %add3A_155 : i32
        %add3A_302 = arith.constant 2 : i32
        %add3A_303 = arith.addi %add3A_301, %add3A_302 : i32
        %dma_wait3A_304 = arith.constant 0 : i32
        %dma_wait3A_305 = tpu.memref_slice %arg3[%add3A_303, %dma_wait3A_304] : memref<2560x128xi32, #tpu.memory_space<hbm>> -> memref<1x128xi32, #tpu.memory_space<hbm>>
        %dma_wait3A_306 = tpu.memref_squeeze %dma_wait3A_305 : memref<1x128xi32, #tpu.memory_space<hbm>> -> memref<128xi32, #tpu.memory_space<hbm>>
        %dma_wait3A_307 = arith.constant 0 : i32
        %dma_wait3A_308 = tpu.memref_slice %arg3[%add3A_303, %dma_wait3A_307] : memref<2560x128xi32, #tpu.memory_space<hbm>> -> memref<1x128xi32, #tpu.memory_space<hbm>>
        %dma_wait3A_309 = tpu.memref_squeeze %dma_wait3A_308 : memref<1x128xi32, #tpu.memory_space<hbm>> -> memref<128xi32, #tpu.memory_space<hbm>>
        tpu.wait_dma2 semaphore(%arg31 : memref<!tpu.dma_semaphore, #tpu.memory_space<semaphore_mem>>) src(%dma_wait3A_309 : memref<128xi32, #tpu.memory_space<hbm>>) dst(%arg15 : memref<128xi32, #tpu.memory_space<vmem>>)
        %dma_start3A_310 = arith.constant 0 : i32
        %dma_start3A_311 = arith.constant 0 : i32
        %dma_start3A_312 = tpu.memref_slice %arg2[%dma_start3A_310, %dma_start3A_311] : memref<10000x128xf32, #tpu.memory_space<hbm>> -> memref<10000x128xf32, #tpu.memory_space<hbm>>
        tpu.enqueue_indirect_dma source(%dma_start3A_312 : memref<10000x128xf32, #tpu.memory_space<hbm>>) target(%arg17 : memref<128x128xf32, #tpu.memory_space<vmem>>) offsets(%arg15 : memref<128xi32, #tpu.memory_space<vmem>>) semaphore(%arg21 : memref<!tpu.dma_semaphore, #tpu.memory_space<semaphore_mem>>)
      } else {
      }
      %mul3A_187 = arith.constant 4 : i32
      %mul3A_188 = arith.muli %scan3A_151, %mul3A_187 : i32
      %add3A_189 = arith.constant 1 : i32
      %add3A_190 = arith.addi %mul3A_188, %add3A_189 : i32
      %dma_wait3A_191 = arith.constant 0 : i32
      %dma_wait3A_192 = arith.constant 0 : i32
      %dma_wait3A_193 = tpu.memref_slice %arg2[%dma_wait3A_191, %dma_wait3A_192] : memref<10000x128xf32, #tpu.memory_space<hbm>> -> memref<10000x128xf32, #tpu.memory_space<hbm>>
      tpu.wait_indirect_dma semaphore(%arg22 : memref<!tpu.dma_semaphore, #tpu.memory_space<semaphore_mem>>) src(%dma_wait3A_193 : memref<10000x128xf32, #tpu.memory_space<hbm>>) dst(%arg18 : memref<128x128xf32, #tpu.memory_space<vmem>>)
      %add3A_194 = arith.addi %mul3A_2, %add3A_190 : i32
      %dma_wait3A_195 = arith.constant 0 : i32
      %dma_wait3A_196 = tpu.memref_slice %arg4[%add3A_194, %dma_wait3A_195] : memref<2560x128xi32, #tpu.memory_space<hbm>> -> memref<1x128xi32, #tpu.memory_space<hbm>>
      %dma_wait3A_197 = tpu.memref_squeeze %dma_wait3A_196 : memref<1x128xi32, #tpu.memory_space<hbm>> -> memref<128xi32, #tpu.memory_space<hbm>>
      %dma_wait3A_198 = arith.constant 0 : i32
      %dma_wait3A_199 = tpu.memref_slice %arg4[%add3A_194, %dma_wait3A_198] : memref<2560x128xi32, #tpu.memory_space<hbm>> -> memref<1x128xi32, #tpu.memory_space<hbm>>
      %dma_wait3A_200 = tpu.memref_squeeze %dma_wait3A_199 : memref<1x128xi32, #tpu.memory_space<hbm>> -> memref<128xi32, #tpu.memory_space<hbm>>
      tpu.wait_dma2 semaphore(%arg34 : memref<!tpu.dma_semaphore, #tpu.memory_space<semaphore_mem>>) src(%dma_wait3A_200 : memref<128xi32, #tpu.memory_space<hbm>>) dst(%arg10 : memref<128xi32, #tpu.memory_space<vmem>>)
      %dma_start3A_201 = arith.constant 0 : i32
      %dma_start3A_202 = arith.constant 0 : i32
      %dma_start3A_203 = tpu.memref_slice %arg7[%dma_start3A_201, %dma_start3A_202] : memref<10240x128xf32, #tpu.memory_space<vmem_shared>> -> memref<10240x128xf32, #tpu.memory_space<vmem_shared>>
      tpu.enqueue_indirect_dma source(%arg18 : memref<128x128xf32, #tpu.memory_space<vmem>>) target(%dma_start3A_203 : memref<10240x128xf32, #tpu.memory_space<vmem_shared>>) offsets(%arg10 : memref<128xi32, #tpu.memory_space<vmem>>) semaphore(%arg24 : memref<!tpu.dma_semaphore, #tpu.memory_space<semaphore_mem>>) {add = true}
      %dma_start3A_204 = arith.constant 0 : i32
      %dma_start3A_205 = tpu.memref_slice %arg8[%dma_start3A_204] : memref<10240xf32, #tpu.memory_space<vmem_shared>> -> memref<10240xf32, #tpu.memory_space<vmem_shared>>
      tpu.enqueue_indirect_dma source(%arg19 : memref<128xf32, #tpu.memory_space<vmem>>) target(%dma_start3A_205 : memref<10240xf32, #tpu.memory_space<vmem_shared>>) offsets(%arg10 : memref<128xi32, #tpu.memory_space<vmem>>) semaphore(%arg26 : memref<!tpu.dma_semaphore, #tpu.memory_space<semaphore_mem>>) {add = true}
      %dma_wait3A_206 = arith.constant 0 : i32
      %dma_wait3A_207 = arith.constant 0 : i32
      %dma_wait3A_208 = tpu.memref_slice %arg7[%dma_wait3A_206, %dma_wait3A_207] : memref<10240x128xf32, #tpu.memory_space<vmem_shared>> -> memref<10240x128xf32, #tpu.memory_space<vmem_shared>>
      tpu.wait_indirect_dma semaphore(%arg24 : memref<!tpu.dma_semaphore, #tpu.memory_space<semaphore_mem>>) src(%arg18 : memref<128x128xf32, #tpu.memory_space<vmem>>) dst(%dma_wait3A_208 : memref<10240x128xf32, #tpu.memory_space<vmem_shared>>)
      %dma_wait3A_209 = arith.constant 0 : i32
      %dma_wait3A_210 = tpu.memref_slice %arg8[%dma_wait3A_209] : memref<10240xf32, #tpu.memory_space<vmem_shared>> -> memref<10240xf32, #tpu.memory_space<vmem_shared>>
      tpu.wait_indirect_dma semaphore(%arg26 : memref<!tpu.dma_semaphore, #tpu.memory_space<semaphore_mem>>) src(%arg19 : memref<128xf32, #tpu.memory_space<vmem>>) dst(%dma_wait3A_210 : memref<10240xf32, #tpu.memory_space<vmem_shared>>)
      %add3A_211 = arith.constant 4 : i32
      %add3A_212 = arith.addi %add3A_190, %add3A_211 : i32
      %lt3A_213 = arith.constant 80 : i32
      %lt3A_214 = arith.cmpi slt, %add3A_212, %lt3A_213 : i32
      %convert_element_type3A_215 = arith.extui %lt3A_214 : i1 to i32
      %cond3A_216 = arith.constant 0 : i32
      %cond3A_217 = arith.cmpi ne, %convert_element_type3A_215, %cond3A_216 : i32
      scf.if %cond3A_217 {
        %add3A_301 = arith.addi %mul3A_2, %add3A_190 : i32
        %add3A_302 = arith.constant 4 : i32
        %add3A_303 = arith.addi %add3A_301, %add3A_302 : i32
        %dma_start3A_304 = arith.constant 0 : i32
        %dma_start3A_305 = tpu.memref_slice %arg3[%add3A_303, %dma_start3A_304] : memref<2560x128xi32, #tpu.memory_space<hbm>> -> memref<1x128xi32, #tpu.memory_space<hbm>>
        %dma_start3A_306 = tpu.memref_squeeze %dma_start3A_305 : memref<1x128xi32, #tpu.memory_space<hbm>> -> memref<128xi32, #tpu.memory_space<hbm>>
        %dma_start3A_307 = arith.constant 0 : i32
        %dma_start3A_308 = tpu.memref_slice %arg3[%add3A_303, %dma_start3A_307] : memref<2560x128xi32, #tpu.memory_space<hbm>> -> memref<1x128xi32, #tpu.memory_space<hbm>>
        %dma_start3A_309 = tpu.memref_squeeze %dma_start3A_308 : memref<1x128xi32, #tpu.memory_space<hbm>> -> memref<128xi32, #tpu.memory_space<hbm>>
        tpu.enqueue_dma source(%dma_start3A_309 : memref<128xi32, #tpu.memory_space<hbm>>) target(%arg14 : memref<128xi32, #tpu.memory_space<vmem>>) target_semaphore(%arg30 : memref<!tpu.dma_semaphore, #tpu.memory_space<semaphore_mem>>)
        %add3A_310 = arith.addi %mul3A_2, %add3A_190 : i32
        %add3A_311 = arith.constant 4 : i32
        %add3A_312 = arith.addi %add3A_310, %add3A_311 : i32
        %dma_start3A_313 = arith.constant 0 : i32
        %dma_start3A_314 = tpu.memref_slice %arg4[%add3A_312, %dma_start3A_313] : memref<2560x128xi32, #tpu.memory_space<hbm>> -> memref<1x128xi32, #tpu.memory_space<hbm>>
        %dma_start3A_315 = tpu.memref_squeeze %dma_start3A_314 : memref<1x128xi32, #tpu.memory_space<hbm>> -> memref<128xi32, #tpu.memory_space<hbm>>
        %dma_start3A_316 = arith.constant 0 : i32
        %dma_start3A_317 = tpu.memref_slice %arg4[%add3A_312, %dma_start3A_316] : memref<2560x128xi32, #tpu.memory_space<hbm>> -> memref<1x128xi32, #tpu.memory_space<hbm>>
        %dma_start3A_318 = tpu.memref_squeeze %dma_start3A_317 : memref<1x128xi32, #tpu.memory_space<hbm>> -> memref<128xi32, #tpu.memory_space<hbm>>
        tpu.enqueue_dma source(%dma_start3A_318 : memref<128xi32, #tpu.memory_space<hbm>>) target(%arg10 : memref<128xi32, #tpu.memory_space<vmem>>) target_semaphore(%arg34 : memref<!tpu.dma_semaphore, #tpu.memory_space<semaphore_mem>>)
      } else {
      }
      %add3A_218 = arith.constant 2 : i32
      %add3A_219 = arith.addi %add3A_190, %add3A_218 : i32
      %lt3A_220 = arith.constant 80 : i32
      %lt3A_221 = arith.cmpi slt, %add3A_219, %lt3A_220 : i32
      %convert_element_type3A_222 = arith.extui %lt3A_221 : i1 to i32
      %cond3A_223 = arith.constant 0 : i32
      %cond3A_224 = arith.cmpi ne, %convert_element_type3A_222, %cond3A_223 : i32
      scf.if %cond3A_224 {
        %add3A_301 = arith.addi %mul3A_2, %add3A_190 : i32
        %add3A_302 = arith.constant 2 : i32
        %add3A_303 = arith.addi %add3A_301, %add3A_302 : i32
        %dma_wait3A_304 = arith.constant 0 : i32
        %dma_wait3A_305 = tpu.memref_slice %arg3[%add3A_303, %dma_wait3A_304] : memref<2560x128xi32, #tpu.memory_space<hbm>> -> memref<1x128xi32, #tpu.memory_space<hbm>>
        %dma_wait3A_306 = tpu.memref_squeeze %dma_wait3A_305 : memref<1x128xi32, #tpu.memory_space<hbm>> -> memref<128xi32, #tpu.memory_space<hbm>>
        %dma_wait3A_307 = arith.constant 0 : i32
        %dma_wait3A_308 = tpu.memref_slice %arg3[%add3A_303, %dma_wait3A_307] : memref<2560x128xi32, #tpu.memory_space<hbm>> -> memref<1x128xi32, #tpu.memory_space<hbm>>
        %dma_wait3A_309 = tpu.memref_squeeze %dma_wait3A_308 : memref<1x128xi32, #tpu.memory_space<hbm>> -> memref<128xi32, #tpu.memory_space<hbm>>
        tpu.wait_dma2 semaphore(%arg32 : memref<!tpu.dma_semaphore, #tpu.memory_space<semaphore_mem>>) src(%dma_wait3A_309 : memref<128xi32, #tpu.memory_space<hbm>>) dst(%arg16 : memref<128xi32, #tpu.memory_space<vmem>>)
        %dma_start3A_310 = arith.constant 0 : i32
        %dma_start3A_311 = arith.constant 0 : i32
        %dma_start3A_312 = tpu.memref_slice %arg2[%dma_start3A_310, %dma_start3A_311] : memref<10000x128xf32, #tpu.memory_space<hbm>> -> memref<10000x128xf32, #tpu.memory_space<hbm>>
        tpu.enqueue_indirect_dma source(%dma_start3A_312 : memref<10000x128xf32, #tpu.memory_space<hbm>>) target(%arg18 : memref<128x128xf32, #tpu.memory_space<vmem>>) offsets(%arg16 : memref<128xi32, #tpu.memory_space<vmem>>) semaphore(%arg22 : memref<!tpu.dma_semaphore, #tpu.memory_space<semaphore_mem>>)
      } else {
      }
      %mul3A_225 = arith.constant 4 : i32
      %mul3A_226 = arith.muli %scan3A_151, %mul3A_225 : i32
      %add3A_227 = arith.constant 2 : i32
      %add3A_228 = arith.addi %mul3A_226, %add3A_227 : i32
      %dma_wait3A_229 = arith.constant 0 : i32
      %dma_wait3A_230 = arith.constant 0 : i32
      %dma_wait3A_231 = tpu.memref_slice %arg2[%dma_wait3A_229, %dma_wait3A_230] : memref<10000x128xf32, #tpu.memory_space<hbm>> -> memref<10000x128xf32, #tpu.memory_space<hbm>>
      tpu.wait_indirect_dma semaphore(%arg21 : memref<!tpu.dma_semaphore, #tpu.memory_space<semaphore_mem>>) src(%dma_wait3A_231 : memref<10000x128xf32, #tpu.memory_space<hbm>>) dst(%arg17 : memref<128x128xf32, #tpu.memory_space<vmem>>)
      %add3A_232 = arith.addi %mul3A_2, %add3A_228 : i32
      %dma_wait3A_233 = arith.constant 0 : i32
      %dma_wait3A_234 = tpu.memref_slice %arg4[%add3A_232, %dma_wait3A_233] : memref<2560x128xi32, #tpu.memory_space<hbm>> -> memref<1x128xi32, #tpu.memory_space<hbm>>
      %dma_wait3A_235 = tpu.memref_squeeze %dma_wait3A_234 : memref<1x128xi32, #tpu.memory_space<hbm>> -> memref<128xi32, #tpu.memory_space<hbm>>
      %dma_wait3A_236 = arith.constant 0 : i32
      %dma_wait3A_237 = tpu.memref_slice %arg4[%add3A_232, %dma_wait3A_236] : memref<2560x128xi32, #tpu.memory_space<hbm>> -> memref<1x128xi32, #tpu.memory_space<hbm>>
      %dma_wait3A_238 = tpu.memref_squeeze %dma_wait3A_237 : memref<1x128xi32, #tpu.memory_space<hbm>> -> memref<128xi32, #tpu.memory_space<hbm>>
      tpu.wait_dma2 semaphore(%arg35 : memref<!tpu.dma_semaphore, #tpu.memory_space<semaphore_mem>>) src(%dma_wait3A_238 : memref<128xi32, #tpu.memory_space<hbm>>) dst(%arg11 : memref<128xi32, #tpu.memory_space<vmem>>)
      %dma_start3A_239 = arith.constant 0 : i32
      %dma_start3A_240 = arith.constant 0 : i32
      %dma_start3A_241 = tpu.memref_slice %arg7[%dma_start3A_239, %dma_start3A_240] : memref<10240x128xf32, #tpu.memory_space<vmem_shared>> -> memref<10240x128xf32, #tpu.memory_space<vmem_shared>>
      tpu.enqueue_indirect_dma source(%arg17 : memref<128x128xf32, #tpu.memory_space<vmem>>) target(%dma_start3A_241 : memref<10240x128xf32, #tpu.memory_space<vmem_shared>>) offsets(%arg11 : memref<128xi32, #tpu.memory_space<vmem>>) semaphore(%arg23 : memref<!tpu.dma_semaphore, #tpu.memory_space<semaphore_mem>>) {add = true}
      %dma_start3A_242 = arith.constant 0 : i32
      %dma_start3A_243 = tpu.memref_slice %arg8[%dma_start3A_242] : memref<10240xf32, #tpu.memory_space<vmem_shared>> -> memref<10240xf32, #tpu.memory_space<vmem_shared>>
      tpu.enqueue_indirect_dma source(%arg19 : memref<128xf32, #tpu.memory_space<vmem>>) target(%dma_start3A_243 : memref<10240xf32, #tpu.memory_space<vmem_shared>>) offsets(%arg11 : memref<128xi32, #tpu.memory_space<vmem>>) semaphore(%arg27 : memref<!tpu.dma_semaphore, #tpu.memory_space<semaphore_mem>>) {add = true}
      %dma_wait3A_244 = arith.constant 0 : i32
      %dma_wait3A_245 = arith.constant 0 : i32
      %dma_wait3A_246 = tpu.memref_slice %arg7[%dma_wait3A_244, %dma_wait3A_245] : memref<10240x128xf32, #tpu.memory_space<vmem_shared>> -> memref<10240x128xf32, #tpu.memory_space<vmem_shared>>
      tpu.wait_indirect_dma semaphore(%arg23 : memref<!tpu.dma_semaphore, #tpu.memory_space<semaphore_mem>>) src(%arg17 : memref<128x128xf32, #tpu.memory_space<vmem>>) dst(%dma_wait3A_246 : memref<10240x128xf32, #tpu.memory_space<vmem_shared>>)
      %dma_wait3A_247 = arith.constant 0 : i32
      %dma_wait3A_248 = tpu.memref_slice %arg8[%dma_wait3A_247] : memref<10240xf32, #tpu.memory_space<vmem_shared>> -> memref<10240xf32, #tpu.memory_space<vmem_shared>>
      tpu.wait_indirect_dma semaphore(%arg27 : memref<!tpu.dma_semaphore, #tpu.memory_space<semaphore_mem>>) src(%arg19 : memref<128xf32, #tpu.memory_space<vmem>>) dst(%dma_wait3A_248 : memref<10240xf32, #tpu.memory_space<vmem_shared>>)
      %add3A_249 = arith.constant 4 : i32
      %add3A_250 = arith.addi %add3A_228, %add3A_249 : i32
      %lt3A_251 = arith.constant 80 : i32
      %lt3A_252 = arith.cmpi slt, %add3A_250, %lt3A_251 : i32
      %convert_element_type3A_253 = arith.extui %lt3A_252 : i1 to i32
      %cond3A_254 = arith.constant 0 : i32
      %cond3A_255 = arith.cmpi ne, %convert_element_type3A_253, %cond3A_254 : i32
      scf.if %cond3A_255 {
        %add3A_301 = arith.addi %mul3A_2, %add3A_228 : i32
        %add3A_302 = arith.constant 4 : i32
        %add3A_303 = arith.addi %add3A_301, %add3A_302 : i32
        %dma_start3A_304 = arith.constant 0 : i32
        %dma_start3A_305 = tpu.memref_slice %arg3[%add3A_303, %dma_start3A_304] : memref<2560x128xi32, #tpu.memory_space<hbm>> -> memref<1x128xi32, #tpu.memory_space<hbm>>
        %dma_start3A_306 = tpu.memref_squeeze %dma_start3A_305 : memref<1x128xi32, #tpu.memory_space<hbm>> -> memref<128xi32, #tpu.memory_space<hbm>>
        %dma_start3A_307 = arith.constant 0 : i32
        %dma_start3A_308 = tpu.memref_slice %arg3[%add3A_303, %dma_start3A_307] : memref<2560x128xi32, #tpu.memory_space<hbm>> -> memref<1x128xi32, #tpu.memory_space<hbm>>
        %dma_start3A_309 = tpu.memref_squeeze %dma_start3A_308 : memref<1x128xi32, #tpu.memory_space<hbm>> -> memref<128xi32, #tpu.memory_space<hbm>>
        tpu.enqueue_dma source(%dma_start3A_309 : memref<128xi32, #tpu.memory_space<hbm>>) target(%arg15 : memref<128xi32, #tpu.memory_space<vmem>>) target_semaphore(%arg31 : memref<!tpu.dma_semaphore, #tpu.memory_space<semaphore_mem>>)
        %add3A_310 = arith.addi %mul3A_2, %add3A_228 : i32
        %add3A_311 = arith.constant 4 : i32
        %add3A_312 = arith.addi %add3A_310, %add3A_311 : i32
        %dma_start3A_313 = arith.constant 0 : i32
        %dma_start3A_314 = tpu.memref_slice %arg4[%add3A_312, %dma_start3A_313] : memref<2560x128xi32, #tpu.memory_space<hbm>> -> memref<1x128xi32, #tpu.memory_space<hbm>>
        %dma_start3A_315 = tpu.memref_squeeze %dma_start3A_314 : memref<1x128xi32, #tpu.memory_space<hbm>> -> memref<128xi32, #tpu.memory_space<hbm>>
        %dma_start3A_316 = arith.constant 0 : i32
        %dma_start3A_317 = tpu.memref_slice %arg4[%add3A_312, %dma_start3A_316] : memref<2560x128xi32, #tpu.memory_space<hbm>> -> memref<1x128xi32, #tpu.memory_space<hbm>>
        %dma_start3A_318 = tpu.memref_squeeze %dma_start3A_317 : memref<1x128xi32, #tpu.memory_space<hbm>> -> memref<128xi32, #tpu.memory_space<hbm>>
        tpu.enqueue_dma source(%dma_start3A_318 : memref<128xi32, #tpu.memory_space<hbm>>) target(%arg11 : memref<128xi32, #tpu.memory_space<vmem>>) target_semaphore(%arg35 : memref<!tpu.dma_semaphore, #tpu.memory_space<semaphore_mem>>)
      } else {
      }
      %add3A_256 = arith.constant 2 : i32
      %add3A_257 = arith.addi %add3A_228, %add3A_256 : i32
      %lt3A_258 = arith.constant 80 : i32
      %lt3A_259 = arith.cmpi slt, %add3A_257, %lt3A_258 : i32
      %convert_element_type3A_260 = arith.extui %lt3A_259 : i1 to i32
      %cond3A_261 = arith.constant 0 : i32
      %cond3A_262 = arith.cmpi ne, %convert_element_type3A_260, %cond3A_261 : i32
      scf.if %cond3A_262 {
        %add3A_301 = arith.addi %mul3A_2, %add3A_228 : i32
        %add3A_302 = arith.constant 2 : i32
        %add3A_303 = arith.addi %add3A_301, %add3A_302 : i32
        %dma_wait3A_304 = arith.constant 0 : i32
        %dma_wait3A_305 = tpu.memref_slice %arg3[%add3A_303, %dma_wait3A_304] : memref<2560x128xi32, #tpu.memory_space<hbm>> -> memref<1x128xi32, #tpu.memory_space<hbm>>
        %dma_wait3A_306 = tpu.memref_squeeze %dma_wait3A_305 : memref<1x128xi32, #tpu.memory_space<hbm>> -> memref<128xi32, #tpu.memory_space<hbm>>
        %dma_wait3A_307 = arith.constant 0 : i32
        %dma_wait3A_308 = tpu.memref_slice %arg3[%add3A_303, %dma_wait3A_307] : memref<2560x128xi32, #tpu.memory_space<hbm>> -> memref<1x128xi32, #tpu.memory_space<hbm>>
        %dma_wait3A_309 = tpu.memref_squeeze %dma_wait3A_308 : memref<1x128xi32, #tpu.memory_space<hbm>> -> memref<128xi32, #tpu.memory_space<hbm>>
        tpu.wait_dma2 semaphore(%arg29 : memref<!tpu.dma_semaphore, #tpu.memory_space<semaphore_mem>>) src(%dma_wait3A_309 : memref<128xi32, #tpu.memory_space<hbm>>) dst(%arg13 : memref<128xi32, #tpu.memory_space<vmem>>)
        %dma_start3A_310 = arith.constant 0 : i32
        %dma_start3A_311 = arith.constant 0 : i32
        %dma_start3A_312 = tpu.memref_slice %arg2[%dma_start3A_310, %dma_start3A_311] : memref<10000x128xf32, #tpu.memory_space<hbm>> -> memref<10000x128xf32, #tpu.memory_space<hbm>>
        tpu.enqueue_indirect_dma source(%dma_start3A_312 : memref<10000x128xf32, #tpu.memory_space<hbm>>) target(%arg17 : memref<128x128xf32, #tpu.memory_space<vmem>>) offsets(%arg13 : memref<128xi32, #tpu.memory_space<vmem>>) semaphore(%arg21 : memref<!tpu.dma_semaphore, #tpu.memory_space<semaphore_mem>>)
      } else {
      }
      %mul3A_263 = arith.constant 4 : i32
      %mul3A_264 = arith.muli %scan3A_151, %mul3A_263 : i32
      %add3A_265 = arith.constant 3 : i32
      %add3A_266 = arith.addi %mul3A_264, %add3A_265 : i32
      %dma_wait3A_267 = arith.constant 0 : i32
      %dma_wait3A_268 = arith.constant 0 : i32
      %dma_wait3A_269 = tpu.memref_slice %arg2[%dma_wait3A_267, %dma_wait3A_268] : memref<10000x128xf32, #tpu.memory_space<hbm>> -> memref<10000x128xf32, #tpu.memory_space<hbm>>
      tpu.wait_indirect_dma semaphore(%arg22 : memref<!tpu.dma_semaphore, #tpu.memory_space<semaphore_mem>>) src(%dma_wait3A_269 : memref<10000x128xf32, #tpu.memory_space<hbm>>) dst(%arg18 : memref<128x128xf32, #tpu.memory_space<vmem>>)
      %add3A_270 = arith.addi %mul3A_2, %add3A_266 : i32
      %dma_wait3A_271 = arith.constant 0 : i32
      %dma_wait3A_272 = tpu.memref_slice %arg4[%add3A_270, %dma_wait3A_271] : memref<2560x128xi32, #tpu.memory_space<hbm>> -> memref<1x128xi32, #tpu.memory_space<hbm>>
      %dma_wait3A_273 = tpu.memref_squeeze %dma_wait3A_272 : memref<1x128xi32, #tpu.memory_space<hbm>> -> memref<128xi32, #tpu.memory_space<hbm>>
      %dma_wait3A_274 = arith.constant 0 : i32
      %dma_wait3A_275 = tpu.memref_slice %arg4[%add3A_270, %dma_wait3A_274] : memref<2560x128xi32, #tpu.memory_space<hbm>> -> memref<1x128xi32, #tpu.memory_space<hbm>>
      %dma_wait3A_276 = tpu.memref_squeeze %dma_wait3A_275 : memref<1x128xi32, #tpu.memory_space<hbm>> -> memref<128xi32, #tpu.memory_space<hbm>>
      tpu.wait_dma2 semaphore(%arg36 : memref<!tpu.dma_semaphore, #tpu.memory_space<semaphore_mem>>) src(%dma_wait3A_276 : memref<128xi32, #tpu.memory_space<hbm>>) dst(%arg12 : memref<128xi32, #tpu.memory_space<vmem>>)
      %dma_start3A_277 = arith.constant 0 : i32
      %dma_start3A_278 = arith.constant 0 : i32
      %dma_start3A_279 = tpu.memref_slice %arg7[%dma_start3A_277, %dma_start3A_278] : memref<10240x128xf32, #tpu.memory_space<vmem_shared>> -> memref<10240x128xf32, #tpu.memory_space<vmem_shared>>
      tpu.enqueue_indirect_dma source(%arg18 : memref<128x128xf32, #tpu.memory_space<vmem>>) target(%dma_start3A_279 : memref<10240x128xf32, #tpu.memory_space<vmem_shared>>) offsets(%arg12 : memref<128xi32, #tpu.memory_space<vmem>>) semaphore(%arg24 : memref<!tpu.dma_semaphore, #tpu.memory_space<semaphore_mem>>) {add = true}
      %dma_start3A_280 = arith.constant 0 : i32
      %dma_start3A_281 = tpu.memref_slice %arg8[%dma_start3A_280] : memref<10240xf32, #tpu.memory_space<vmem_shared>> -> memref<10240xf32, #tpu.memory_space<vmem_shared>>
      tpu.enqueue_indirect_dma source(%arg19 : memref<128xf32, #tpu.memory_space<vmem>>) target(%dma_start3A_281 : memref<10240xf32, #tpu.memory_space<vmem_shared>>) offsets(%arg12 : memref<128xi32, #tpu.memory_space<vmem>>) semaphore(%arg28 : memref<!tpu.dma_semaphore, #tpu.memory_space<semaphore_mem>>) {add = true}
      %dma_wait3A_282 = arith.constant 0 : i32
      %dma_wait3A_283 = arith.constant 0 : i32
      %dma_wait3A_284 = tpu.memref_slice %arg7[%dma_wait3A_282, %dma_wait3A_283] : memref<10240x128xf32, #tpu.memory_space<vmem_shared>> -> memref<10240x128xf32, #tpu.memory_space<vmem_shared>>
      tpu.wait_indirect_dma semaphore(%arg24 : memref<!tpu.dma_semaphore, #tpu.memory_space<semaphore_mem>>) src(%arg18 : memref<128x128xf32, #tpu.memory_space<vmem>>) dst(%dma_wait3A_284 : memref<10240x128xf32, #tpu.memory_space<vmem_shared>>)
      %dma_wait3A_285 = arith.constant 0 : i32
      %dma_wait3A_286 = tpu.memref_slice %arg8[%dma_wait3A_285] : memref<10240xf32, #tpu.memory_space<vmem_shared>> -> memref<10240xf32, #tpu.memory_space<vmem_shared>>
      tpu.wait_indirect_dma semaphore(%arg28 : memref<!tpu.dma_semaphore, #tpu.memory_space<semaphore_mem>>) src(%arg19 : memref<128xf32, #tpu.memory_space<vmem>>) dst(%dma_wait3A_286 : memref<10240xf32, #tpu.memory_space<vmem_shared>>)
      %add3A_287 = arith.constant 4 : i32
      %add3A_288 = arith.addi %add3A_266, %add3A_287 : i32
      %lt3A_289 = arith.constant 80 : i32
      %lt3A_290 = arith.cmpi slt, %add3A_288, %lt3A_289 : i32
      %convert_element_type3A_291 = arith.extui %lt3A_290 : i1 to i32
      %cond3A_292 = arith.constant 0 : i32
      %cond3A_293 = arith.cmpi ne, %convert_element_type3A_291, %cond3A_292 : i32
      scf.if %cond3A_293 {
        %add3A_301 = arith.addi %mul3A_2, %add3A_266 : i32
        %add3A_302 = arith.constant 4 : i32
        %add3A_303 = arith.addi %add3A_301, %add3A_302 : i32
        %dma_start3A_304 = arith.constant 0 : i32
        %dma_start3A_305 = tpu.memref_slice %arg3[%add3A_303, %dma_start3A_304] : memref<2560x128xi32, #tpu.memory_space<hbm>> -> memref<1x128xi32, #tpu.memory_space<hbm>>
        %dma_start3A_306 = tpu.memref_squeeze %dma_start3A_305 : memref<1x128xi32, #tpu.memory_space<hbm>> -> memref<128xi32, #tpu.memory_space<hbm>>
        %dma_start3A_307 = arith.constant 0 : i32
        %dma_start3A_308 = tpu.memref_slice %arg3[%add3A_303, %dma_start3A_307] : memref<2560x128xi32, #tpu.memory_space<hbm>> -> memref<1x128xi32, #tpu.memory_space<hbm>>
        %dma_start3A_309 = tpu.memref_squeeze %dma_start3A_308 : memref<1x128xi32, #tpu.memory_space<hbm>> -> memref<128xi32, #tpu.memory_space<hbm>>
        tpu.enqueue_dma source(%dma_start3A_309 : memref<128xi32, #tpu.memory_space<hbm>>) target(%arg16 : memref<128xi32, #tpu.memory_space<vmem>>) target_semaphore(%arg32 : memref<!tpu.dma_semaphore, #tpu.memory_space<semaphore_mem>>)
        %add3A_310 = arith.addi %mul3A_2, %add3A_266 : i32
        %add3A_311 = arith.constant 4 : i32
        %add3A_312 = arith.addi %add3A_310, %add3A_311 : i32
        %dma_start3A_313 = arith.constant 0 : i32
        %dma_start3A_314 = tpu.memref_slice %arg4[%add3A_312, %dma_start3A_313] : memref<2560x128xi32, #tpu.memory_space<hbm>> -> memref<1x128xi32, #tpu.memory_space<hbm>>
        %dma_start3A_315 = tpu.memref_squeeze %dma_start3A_314 : memref<1x128xi32, #tpu.memory_space<hbm>> -> memref<128xi32, #tpu.memory_space<hbm>>
        %dma_start3A_316 = arith.constant 0 : i32
        %dma_start3A_317 = tpu.memref_slice %arg4[%add3A_312, %dma_start3A_316] : memref<2560x128xi32, #tpu.memory_space<hbm>> -> memref<1x128xi32, #tpu.memory_space<hbm>>
        %dma_start3A_318 = tpu.memref_squeeze %dma_start3A_317 : memref<1x128xi32, #tpu.memory_space<hbm>> -> memref<128xi32, #tpu.memory_space<hbm>>
        tpu.enqueue_dma source(%dma_start3A_318 : memref<128xi32, #tpu.memory_space<hbm>>) target(%arg12 : memref<128xi32, #tpu.memory_space<vmem>>) target_semaphore(%arg36 : memref<!tpu.dma_semaphore, #tpu.memory_space<semaphore_mem>>)
      } else {
      }
      %add3A_294 = arith.constant 2 : i32
      %add3A_295 = arith.addi %add3A_266, %add3A_294 : i32
      %lt3A_296 = arith.constant 80 : i32
      %lt3A_297 = arith.cmpi slt, %add3A_295, %lt3A_296 : i32
      %convert_element_type3A_298 = arith.extui %lt3A_297 : i1 to i32
      %cond3A_299 = arith.constant 0 : i32
      %cond3A_300 = arith.cmpi ne, %convert_element_type3A_298, %cond3A_299 : i32
      scf.if %cond3A_300 {
        %add3A_301 = arith.addi %mul3A_2, %add3A_266 : i32
        %add3A_302 = arith.constant 2 : i32
        %add3A_303 = arith.addi %add3A_301, %add3A_302 : i32
        %dma_wait3A_304 = arith.constant 0 : i32
        %dma_wait3A_305 = tpu.memref_slice %arg3[%add3A_303, %dma_wait3A_304] : memref<2560x128xi32, #tpu.memory_space<hbm>> -> memref<1x128xi32, #tpu.memory_space<hbm>>
        %dma_wait3A_306 = tpu.memref_squeeze %dma_wait3A_305 : memref<1x128xi32, #tpu.memory_space<hbm>> -> memref<128xi32, #tpu.memory_space<hbm>>
        %dma_wait3A_307 = arith.constant 0 : i32
        %dma_wait3A_308 = tpu.memref_slice %arg3[%add3A_303, %dma_wait3A_307] : memref<2560x128xi32, #tpu.memory_space<hbm>> -> memref<1x128xi32, #tpu.memory_space<hbm>>
        %dma_wait3A_309 = tpu.memref_squeeze %dma_wait3A_308 : memref<1x128xi32, #tpu.memory_space<hbm>> -> memref<128xi32, #tpu.memory_space<hbm>>
        tpu.wait_dma2 semaphore(%arg30 : memref<!tpu.dma_semaphore, #tpu.memory_space<semaphore_mem>>) src(%dma_wait3A_309 : memref<128xi32, #tpu.memory_space<hbm>>) dst(%arg14 : memref<128xi32, #tpu.memory_space<vmem>>)
        %dma_start3A_310 = arith.constant 0 : i32
        %dma_start3A_311 = arith.constant 0 : i32
        %dma_start3A_312 = tpu.memref_slice %arg2[%dma_start3A_310, %dma_start3A_311] : memref<10000x128xf32, #tpu.memory_space<hbm>> -> memref<10000x128xf32, #tpu.memory_space<hbm>>
        tpu.enqueue_indirect_dma source(%dma_start3A_312 : memref<10000x128xf32, #tpu.memory_space<hbm>>) target(%arg18 : memref<128x128xf32, #tpu.memory_space<vmem>>) offsets(%arg14 : memref<128xi32, #tpu.memory_space<vmem>>) semaphore(%arg22 : memref<!tpu.dma_semaphore, #tpu.memory_space<semaphore_mem>>)
      } else {
      }
    }
    %scan3A_149 = arith.constant 20 : i32
    %barrier3A_150 = arith.constant 0 : index
    tpu.barrier barrier_id(%barrier3A_150)
    "tpu.region"() ({
      %run_scoped3A = tpu.sem_alloc : memref<!tpu.dma_semaphore, #tpu.memory_space<semaphore_mem>>
      %dma_start3A_151 = arith.constant 0 : i32
      %dma_start3A_152 = tpu.memref_slice %arg5[%arg0, %mul3A_49, %dma_start3A_151] : memref<2x10240x128xf32, #tpu.memory_space<hbm>> -> memref<1x640x128xf32, #tpu.memory_space<hbm>>
      %dma_start3A_153 = tpu.memref_squeeze %dma_start3A_152 : memref<1x640x128xf32, #tpu.memory_space<hbm>> -> memref<640x128xf32, #tpu.memory_space<hbm>>
      %dma_start3A_154 = arith.constant 0 : i32
      %dma_start3A_155 = tpu.memref_slice %arg7[%mul3A_49, %dma_start3A_154] : memref<10240x128xf32, #tpu.memory_space<vmem_shared>> -> memref<640x128xf32, #tpu.memory_space<vmem_shared>>
      tpu.enqueue_dma source(%dma_start3A_155 : memref<640x128xf32, #tpu.memory_space<vmem_shared>>) target(%dma_start3A_153 : memref<640x128xf32, #tpu.memory_space<hbm>>) target_semaphore(%run_scoped3A : memref<!tpu.dma_semaphore, #tpu.memory_space<semaphore_mem>>)
      %dma_wait3A_156 = arith.constant 0 : i32
      %dma_wait3A_157 = tpu.memref_slice %arg5[%arg0, %mul3A_49, %dma_wait3A_156] : memref<2x10240x128xf32, #tpu.memory_space<hbm>> -> memref<1x640x128xf32, #tpu.memory_space<hbm>>
      %dma_wait3A_158 = tpu.memref_squeeze %dma_wait3A_157 : memref<1x640x128xf32, #tpu.memory_space<hbm>> -> memref<640x128xf32, #tpu.memory_space<hbm>>
      %dma_wait3A_159 = arith.constant 0 : i32
      %dma_wait3A_160 = tpu.memref_slice %arg7[%mul3A_49, %dma_wait3A_159] : memref<10240x128xf32, #tpu.memory_space<vmem_shared>> -> memref<640x128xf32, #tpu.memory_space<vmem_shared>>
      tpu.wait_dma2 semaphore(%run_scoped3A : memref<!tpu.dma_semaphore, #tpu.memory_space<semaphore_mem>>) src(%dma_wait3A_160 : memref<640x128xf32, #tpu.memory_space<vmem_shared>>) dst(%dma_wait3A_158 : memref<640x128xf32, #tpu.memory_space<hbm>>)
      tpu.yield
    }) : () -> ()
    "tpu.region"() ({
      %run_scoped3A = tpu.sem_alloc : memref<!tpu.dma_semaphore, #tpu.memory_space<semaphore_mem>>
      %dma_start3A_151 = tpu.memref_slice %arg6[%arg0, %mul3A_49] : memref<2x10240xf32, #tpu.memory_space<hbm>> -> memref<1x640xf32, #tpu.memory_space<hbm>>
      %dma_start3A_152 = tpu.memref_squeeze %dma_start3A_151 : memref<1x640xf32, #tpu.memory_space<hbm>> -> memref<640xf32, #tpu.memory_space<hbm>>
      %dma_start3A_153 = tpu.memref_slice %arg8[%mul3A_49] : memref<10240xf32, #tpu.memory_space<vmem_shared>> -> memref<640xf32, #tpu.memory_space<vmem_shared>>
      tpu.enqueue_dma source(%dma_start3A_153 : memref<640xf32, #tpu.memory_space<vmem_shared>>) target(%dma_start3A_152 : memref<640xf32, #tpu.memory_space<hbm>>) target_semaphore(%run_scoped3A : memref<!tpu.dma_semaphore, #tpu.memory_space<semaphore_mem>>)
      %dma_wait3A_154 = tpu.memref_slice %arg6[%arg0, %mul3A_49] : memref<2x10240xf32, #tpu.memory_space<hbm>> -> memref<1x640xf32, #tpu.memory_space<hbm>>
      %dma_wait3A_155 = tpu.memref_squeeze %dma_wait3A_154 : memref<1x640xf32, #tpu.memory_space<hbm>> -> memref<640xf32, #tpu.memory_space<hbm>>
      %dma_wait3A_156 = tpu.memref_slice %arg8[%mul3A_49] : memref<10240xf32, #tpu.memory_space<vmem_shared>> -> memref<640xf32, #tpu.memory_space<vmem_shared>>
      tpu.wait_dma2 semaphore(%run_scoped3A : memref<!tpu.dma_semaphore, #tpu.memory_space<semaphore_mem>>) src(%dma_wait3A_156 : memref<640xf32, #tpu.memory_space<vmem_shared>>) dst(%dma_wait3A_155 : memref<640xf32, #tpu.memory_space<hbm>>)
      tpu.yield
    }) : () -> ()
    return
  }
}

module attributes {stable_mosaic.version = 14 : i64} {
  func.func @body(%arg0: i32, %arg1: memref<1000x128xf32, #tpu.memory_space<vmem>>, %arg2: memref<1000x128xf32, #tpu.memory_space<vmem>>, %arg3: memref<1000x128xf32, #tpu.memory_space<vmem>>, %arg4: memref<1000x1xf32, #tpu.memory_space<vmem>>, %arg5: memref<1000x1xf32, #tpu.memory_space<vmem>>, %arg6: memref<128x128xf32, #tpu.memory_space<vmem>>, %arg7: memref<1x128xf32, #tpu.memory_space<vmem>>, %arg8: memref<1000x128xf32, #tpu.memory_space<vmem>>) attributes {dimension_semantics = [#tpu.dimension_semantics<arbitrary>], iteration_bounds = array<i64: 10>, scalar_prefetch = 0 : i64, scratch_operands = 0 : i64, tpu.core_type = #tpu.core_type<tc>, window_params = [{transform_indices = @transform_0, window_bounds = array<i64: 1000, 128>}, {transform_indices = @transform_1, window_bounds = array<i64: 1000, 128>}, {transform_indices = @transform_2, window_bounds = array<i64: 1000, 128>}, {transform_indices = @transform_3, window_bounds = array<i64: 1000, 1>}, {transform_indices = @transform_4, window_bounds = array<i64: 1000, 1>}, {pipeline_mode = #tpu.pipeline_mode<synchronous>, transform_indices = @transform_5, window_bounds = array<i64: 128, 128>}, {pipeline_mode = #tpu.pipeline_mode<synchronous>, transform_indices = @transform_6, window_bounds = array<i64: 1, 128>}, {transform_indices = @transform_7, window_bounds = array<i64: 1000, 128>}]} {
    %get3A = arith.constant 0 : index
    %get3A_0 = arith.constant 0 : index
    %get3A_1 = vector.load %arg4[%get3A, %get3A_0] : memref<1000x1xf32, #tpu.memory_space<vmem>>, vector<1000x1xf32>
    %get3A_2 = arith.constant 0 : index
    %get3A_3 = arith.constant 0 : index
    %get3A_4 = vector.load %arg5[%get3A_2, %get3A_3] : memref<1000x1xf32, #tpu.memory_space<vmem>>, vector<1000x1xf32>
    %add3A = arith.addf %get3A_1, %get3A_4 : vector<1000x1xf32>
    %add3A_5 = arith.constant 1.000000e+00 : f32
    %add3A_6 = vector.broadcast %add3A_5 : f32 to vector<1000x1xf32>
    %add3A_7 = arith.addf %add3A, %add3A_6 : vector<1000x1xf32>
    %div3A = arith.constant 1.000000e+00 : f32
    %div3A_8 = vector.broadcast %div3A : f32 to vector<1000x1xf32>
    %div3A_9 = arith.divf %div3A_8, %add3A_7 : vector<1000x1xf32>
    %get3A_10 = arith.constant 0 : index
    %get3A_11 = arith.constant 0 : index
    %get3A_12 = vector.load %arg2[%get3A_10, %get3A_11] : memref<1000x128xf32, #tpu.memory_space<vmem>>, vector<1000x128xf32>
    %get3A_13 = arith.constant 0 : index
    %get3A_14 = arith.constant 0 : index
    %get3A_15 = vector.load %arg3[%get3A_13, %get3A_14] : memref<1000x128xf32, #tpu.memory_space<vmem>>, vector<1000x128xf32>
    %add3A_16 = arith.addf %get3A_12, %get3A_15 : vector<1000x128xf32>
    %get3A_17 = arith.constant 0 : index
    %get3A_18 = arith.constant 0 : index
    %get3A_19 = vector.load %arg1[%get3A_17, %get3A_18] : memref<1000x128xf32, #tpu.memory_space<vmem>>, vector<1000x128xf32>
    %mul3A = arith.constant 2.000000e+00 : f32
    %mul3A_20 = vector.broadcast %mul3A : f32 to vector<1000x128xf32>
    %mul3A_21 = arith.mulf %mul3A_20, %get3A_19 : vector<1000x128xf32>
    %add3A_22 = arith.addf %add3A_16, %mul3A_21 : vector<1000x128xf32>
    %get3A_23 = arith.constant 0 : index
    %get3A_24 = arith.constant 0 : index
    %get3A_25 = vector.load %arg6[%get3A_23, %get3A_24] : memref<128x128xf32, #tpu.memory_space<vmem>>, vector<128x128xf32>
    %dot_general3A = arith.constant dense<0.000000e+00> : vector<1000x128xf32>
    %dot_general3A_26 = tpu.matmul %add3A_22, %get3A_25, %dot_general3A {dimension_numbers = #tpu.dot_dimension_numbers<[1], [1], [0], [0], [0, 0, 1, 0], [], []>, transpose_lhs_hint = false} : vector<1000x128xf32>, vector<128x128xf32>, vector<1000x128xf32> -> vector<1000x128xf32>
    %mul3A_27 = vector.broadcast %div3A_9 : vector<1000x1xf32> to vector<1000x128xf32>
    %mul3A_28 = arith.mulf %dot_general3A_26, %mul3A_27 : vector<1000x128xf32>
    %get3A_29 = arith.constant 0 : index
    %get3A_30 = arith.constant 0 : index
    %get3A_31 = vector.load %arg7[%get3A_29, %get3A_30] : memref<1x128xf32, #tpu.memory_space<vmem>>, vector<1x128xf32>
    %add3A_32 = arith.constant 1.000000e+00 : f32
    %add3A_33 = vector.broadcast %add3A_32 : f32 to vector<1000x1xf32>
    %add3A_34 = arith.addf %add3A_33, %div3A_9 : vector<1000x1xf32>
    %mul3A_35 = vector.broadcast %get3A_31 : vector<1x128xf32> to vector<1000x128xf32>
    %mul3A_36 = vector.broadcast %add3A_34 : vector<1000x1xf32> to vector<1000x128xf32>
    %mul3A_37 = arith.mulf %mul3A_35, %mul3A_36 : vector<1000x128xf32>
    %add3A_38 = arith.addf %mul3A_28, %mul3A_37 : vector<1000x128xf32>
    %swap3A = arith.constant 0 : index
    %swap3A_39 = arith.constant 0 : index
    %swap3A_40 = vector.load %arg8[%swap3A, %swap3A_39] : memref<1000x128xf32, #tpu.memory_space<vmem>>, vector<1000x128xf32>
    tpu.vector_store %arg8[%swap3A, %swap3A_39], %add3A_38 {strides = array<i32>} : memref<1000x128xf32, #tpu.memory_space<vmem>>, vector<1000x128xf32>,
    return
  }
  func.func @transform_0(%arg0: i32) -> (i32, i32) {
    %c0_i32 = arith.constant 0 : i32
    %c0_i32_0 = arith.constant 0 : i32
    return %arg0, %c0_i32 : i32, i32
  }
  func.func @transform_1(%arg0: i32) -> (i32, i32) {
    %c0_i32 = arith.constant 0 : i32
    %c0_i32_0 = arith.constant 0 : i32
    return %arg0, %c0_i32 : i32, i32
  }
  func.func @transform_2(%arg0: i32) -> (i32, i32) {
    %c0_i32 = arith.constant 0 : i32
    %c0_i32_0 = arith.constant 0 : i32
    return %arg0, %c0_i32 : i32, i32
  }
  func.func @transform_3(%arg0: i32) -> (i32, i32) {
    %c0_i32 = arith.constant 0 : i32
    %c0_i32_0 = arith.constant 0 : i32
    return %arg0, %c0_i32 : i32, i32
  }
  func.func @transform_4(%arg0: i32) -> (i32, i32) {
    %c0_i32 = arith.constant 0 : i32
    %c0_i32_0 = arith.constant 0 : i32
    return %arg0, %c0_i32 : i32, i32
  }
  func.func @transform_5(%arg0: i32) -> (i32, i32) {
    %c0_i32 = arith.constant 0 : i32
    %c0_i32_0 = arith.constant 0 : i32
    %c0_i32_1 = arith.constant 0 : i32
    return %c0_i32, %c0_i32_0 : i32, i32
  }
  func.func @transform_6(%arg0: i32) -> (i32, i32) {
    %c0_i32 = arith.constant 0 : i32
    %c0_i32_0 = arith.constant 0 : i32
    %c0_i32_1 = arith.constant 0 : i32
    return %c0_i32, %c0_i32_0 : i32, i32
  }
  func.func @transform_7(%arg0: i32) -> (i32, i32) {
    %c0_i32 = arith.constant 0 : i32
    %c0_i32_0 = arith.constant 0 : i32
    return %arg0, %c0_i32 : i32, i32
  }
}

</mosaic_0001>

<sc_bundles>
// kernel: kernel.4.cloned.1.call-start
scs
__scs_entry_jumppad:
0x0: {  	(pc) =	sbr.rel $0x88, $3  }
0x1: {  	(tag) =	ssettag $0x0;
	lr =	simm.s32 $0x1  }
0x2: {  	[smem:$0x3F9D] =	sst lr;
	_ =	strace $0xD0000000  }
0x3: {  	_ = 	snop  }
0x4: {  	_ = 	snop  }
0x5: {  	_ = 	snop  }
0x6: {  	_ = 	snop  }
0x7: {  	_ = 	snop  }
__scs_overlays_trampoline_lowered:
0x8: {  	[smem:$0x3FAC] =	sst s0  }
0x9: {  	[smem:$0x3FAD] =	sst s1  }
0xa: {  	[smem:$0x3FAE] =	sst s2  }
0xb: {  	[smem:$0x3FAF] =	sst s3  }
0xc: {  	[smem:$0x3FB0] =	sst s4  }
0xd: {  	[smem:$0x3FB1] =	sst s5  }
0xe: {  	[smem:$0x3FB2] =	sst s6  }
0xf: {  	[smem:$0x3FB3] =	sst s7  }
0x10: {  	[smem:$0x3FB4] =	sst s8  }
0x11: {  	[smem:$0x3FB5] =	sst s9;
	s0 =	simm.s32 @!p0 $0x0  }
0x12: {  	s1 =	sld [smem:$0x3F9B];
	s0 =	simm.s32 @p0 $0x1  }
0x13: {  	[smem:$0x3FB6] =	sst s0;
	s0 =	simm.s32 @!p1 $0x0  }
0x14: {  	s2 =	sld [smem:$0x3F9A];
	s0 =	simm.s32 @p1 $0x1  }
0x15: {  	[smem:$0x3FB7] =	sst s0;
	s0 =	simm.s32 @!p2 $0x0  }
0x16: {  	s3 =	sld [smem:$0x3FDB];
	s0 =	simm.s32 @p2 $0x1  }
0x17: {  	s4 =	simm.s32 $0x1BF5;
	[smem:$0x3FB9] =	sst s0  }
0x18: {  	s0 =	sld [smem:$0x3F9C];
	_ =	swait.ge [sflag:s4], $0x0  }
0x19: {  	s7 =	sld [smem:$0x3F9D]  }
0x1a: {  	s8 =	sadd.s32 $0xFFFFE003, lr  }
0x1b: {  	s9 =	sadd.s32 $0xFFFFFEF7, lr;
	s5 =	simm.s32 $0xFFFFFFFF;
	p2 =	slt.u32 s8, $0xFFFFF086  }
0x1c: {  	p1 =	slt.u32 s9, $0xF7A;
	s5 =	simm.s32 @!p2 $0x0  }
0x1d: {  	s5 =	simm.s32 @p1 $0x1;
	p0 =	seq.s32 s7, s2  }
0x1e: {  	s7 =	smul.u32 @!p0 $0xF7A, s2;
	p2 =	seq.s32 @!p0 s5, $0x0  }
0x1f: {  	s9 =	smul.u32 $0xF7A, s1;
	s8 =	simm.s32 @!p0 $0x1BF5;
	p2 =	por !p2, p0  }
0x20: {  	[sflag:s8] =	ssyncset.s32 @!p0 $0xFFFFF086;
	s6 =	sadd.s32 @!p0 s3, s7;
	s7 =	simm.s32 @!p0 $0x108  }
0x21: {  	s3 =	sadd.s32 s3, s9;
	s6 =	sadd.s32 @!p0 $0x88, s6;
	s7 =	simm.s32 @p2 $0x1082  }
0x22: {  	[simem:s7], [sflag:s8] =	dma.local @!p0 [hbm:s6], $0xF7A  }
0x23: {  	s9 =	sor.u32 $0xD0000000, s2;
	s6 =	simm.s32 $0x108;
	_ =	swait.ge @!p0 [sflag:s8], $0x0  }
0x24: {  	s3 =	sadd.s32 $0x88, s3;
	s6 =	simm.s32 @!p1 $0x1082;
	[sflag:s4] =	ssyncset.s32 $0xFFFFF086  }
0x25: {  	[simem:s6], [sflag:s4] =	dma.local [hbm:s3], $0xF7A  }
0x26: {  	[smem:$0x3F9D] =	sst s1;
	(tag) =	ssettag s2;
	_ =	strace s9  }
0x27: {  	s1 =	sld [smem:$0x3FAD]  }
0x28: {  	s2 =	sld [smem:$0x3FAE]  }
0x29: {  	s4 =	sld [smem:$0x3FB0]  }
0x2a: {  	p0 =	seq.s32 s5, $0x0;
	s5 =	sld [smem:$0x3FB1]  }
0x2b: {  	s6 =	sld [smem:$0x3FB2]  }
0x2c: {  	s7 =	sld [smem:$0x3FB3]  }
0x2d: {  	s3 =	simm.s32 $0x108;
	s8 =	sld [smem:$0x3FB4]  }
0x2e: {  	s3 =	simm.s32 @!p0 $0x1082;
	s9 =	sld [smem:$0x3FB5]  }
0x2f: {  	lr =	sadd.s32 s0, s3;
	s0 =	sld [smem:$0x3FAC]  }
0x30: {  	s3 =	sld [smem:$0x3FAF]  }
0x31: {  	[smem:$0x3FB8] =	sst s10  }
0x32: {  	s10 =	sld [smem:$0x3FB6];
	_ =	sdelay $0x3  }
0x33: {  	p0 =	seq.s32 s10, $0x1;
	s10 =	sld [smem:$0x3FB8];
	_ =	sdelay $0x3  }
0x34: {  	[smem:$0x3FB8] =	sst s10  }
0x35: {  	s10 =	sld [smem:$0x3FB7];
	_ =	sdelay $0x3  }
0x36: {  	p1 =	seq.s32 s10, $0x1;
	s10 =	sld [smem:$0x3FB8];
	_ =	sdelay $0x3  }
0x37: {  	[smem:$0x3FB8] =	sst s10  }
0x38: {  	s10 =	sld [smem:$0x3FB9]  }
0x39: {  	_ = 	snop;
	(pc) =	sbr.ind lr, $3  }
0x3a: {  	_ = 	snop  }
0x3b: {  	_ = 	snop  }
0x3c: {  	p2 =	seq.s32 s10, $0x1;
	s10 =	sld [smem:$0x3FB8]  }
0x3d: {  	_ =	shalt  }
0x3e: {  	_ =	shalt  }
0x3f: {  	_ =	shalt  }
0x40: {  	_ =	shalt  }
0x41: {  	_ =	shalt  }
0x42: {  	_ =	shalt  }
0x43: {  	_ =	shalt  }
0x44: {  	_ =	shalt  }
0x45: {  	_ =	shalt  }
0x46: {  	_ =	shalt  }
0x47: {  	_ =	shalt  }
0x48: {  	_ =	shalt  }
0x49: {  	_ =	shalt  }
0x4a: {  	_ =	shalt  }
0x4b: {  	_ =	shalt  }
0x4c: {  	_ =	shalt  }
0x4d: {  	_ =	shalt  }
0x4e: {  	_ =	shalt  }
0x4f: {  	_ =	shalt  }
0x50: {  	_ =	shalt  }
0x51: {  	_ =	shalt  }
0x52: {  	_ =	shalt  }
0x53: {  	_ =	shalt  }
0x54: {  	_ =	shalt  }
0x55: {  	_ =	shalt  }
0x56: {  	_ =	shalt  }
0x57: {  	_ =	shalt  }
0x58: {  	_ =	shalt  }
0x59: {  	_ =	shalt  }
0x5a: {  	_ =	shalt  }
0x5b: {  	_ =	shalt  }
0x5c: {  	_ =	shalt  }
0x5d: {  	_ =	shalt  }
0x5e: {  	_ =	shalt  }
0x5f: {  	_ =	shalt  }
0x60: {  	_ =	shalt  }
0x61: {  	_ =	shalt  }
0x62: {  	_ =	shalt  }
0x63: {  	_ =	shalt  }
0x64: {  	_ =	shalt  }
0x65: {  	_ =	shalt  }
0x66: {  	_ =	shalt  }
0x67: {  	_ =	shalt  }
0x68: {  	_ =	shalt  }
0x69: {  	_ =	shalt  }
0x6a: {  	_ =	shalt  }
0x6b: {  	_ =	shalt  }
0x6c: {  	_ =	shalt  }
0x6d: {  	_ =	shalt  }
0x6e: {  	_ =	shalt  }
0x6f: {  	_ =	shalt  }
0x70: {  	_ =	shalt  }
0x71: {  	_ =	shalt  }
0x72: {  	_ =	shalt  }
0x73: {  	_ =	shalt  }
0x74: {  	_ =	shalt  }
0x75: {  	_ =	shalt  }
0x76: {  	_ =	shalt  }
0x77: {  	_ =	shalt  }
0x78: {  	_ =	shalt  }
0x79: {  	_ =	shalt  }
0x7a: {  	_ =	shalt  }
0x7b: {  	_ =	shalt  }
0x7c: {  	_ =	shalt  }
0x7d: {  	_ =	shalt  }
0x7e: {  	_ =	shalt  }
0x7f: {  	_ =	shalt  }
0x80: {  	_ =	shalt  }
0x81: {  	_ =	shalt  }
0x82: {  	_ =	shalt  }
0x83: {  	_ =	shalt  }
0x84: {  	_ =	shalt  }
0x85: {  	_ =	shalt  }
0x86: {  	_ =	shalt  }
0x87: {  	_ =	shalt  }
.Lfunc_end0:
.L_simem_size_0:
called_computation_lowered:
.L_overlay_start_0:
0x88: {  	s2 =	sld [smem:$0x3FD9]  }
0x89: {  	s3 =	sld [smem:$0x3FFE];
	_ =	sdelay $0x1  }
0x8a: {  	s1 =	srdreg.scid  }
0x8b: {  	s0 =	sand.u32 $0x1, s1  }
0x8c: {  	s17 =	sshll.u32 s0, $0xA;
	s2 =	sadd.s32 s3, s2  }
0x8d: {  	s2 =	sadd.s32 s2, s17  }
0x8e: {  	[smem:$0x3FC4] =	sst s2  }
0x8f: {  	_ = 	snop  }
0x90: {  	s2 =	sld [smem:$0x3FC9]  }
0x91: {  	s18 =	sld [smem:$0x3FD0];
	(tm) =	ssettm $0x1  }
0x92: {  	s4 =	sld [smem:$0x3FFB];
	_ =	sdelay $0x3  }
0x93: {  	_ =	strace s4  }
0x94: {  	s4 =	sld [smem:$0x3FFC];
	_ =	sdelay $0x3  }
0x95: {  	_ =	strace s4  }
0x96: {  	s4 =	sld [smem:$0x3FFD];
	_ =	sdelay $0x3  }
0x97: {  	_ =	strace s4  }
0x98: {  	_ =	strace $0x8FFFFFFF  }
0x99: {  	s19 =	sld [smem:$0x3FDB];
	_ =	sdelay $0x1  }
0x9a: {  	s5 =	simm.s32 $_scs_section_size  }
0x9b: {  	s6 =	simm.s32 $_size__tile_overlayer_lowered;
	s7 =	simm.s32 $_tile_overlayer_lowered  }
0x9c: {  	s22 =	simm.s32 $0x1BFF;
	s21 =	sshll.u32 s7, $0x1;
	s4 =	sadd.s32 s5, s19  }
0x9d: {  	s8 =	simm.s32 $0x0;
	s20 =	sshll.u32 s6, $0x1;
	s6 =	sadd.s32 s21, s4  }
0x9e: {  	[timem:s8], [sflag:s22] =	dma.local [hbm:s6], s20  }
0x9f: {  	_ =	swait.ge [sflag:s22], s20  }
0xa0: {  	s5 =	ssub.s32 $0x0, s20;
	[sflag:s22] =	ssyncset.done $0x0  }
0xa1: {  	[sflag:s22] =	ssyncadd.s32 s5;
	_ =	sdelay $0x1  }
0xa2: {  	s23 =	simm.s32 $0x1B8B  }
0xa3: {  	_ =	swait.ge [sflag:s23], $0x1  }
0xa4: {  	[sflag:s23] =	ssyncset.done $0x0  }
0xa5: {  	s25 =	simm.s32 $0x1B8E;
	s24 =	sld [smem:$0x3FFE];
	[sflag:s23] =	ssyncadd.s32 $0xFFFFFFFF  }
0xa6: {  	s26 =	simm.s32 $execute0_lowered;
	[smem:$0x3FD2] =	sst s25  }
0xa7: {  	s6 =	sshll.u32 s26, $0x1;
	_ =	strace $0x80000046;
	[dreg:$0x1] =	wrdreg $0xFFFFFFFF  }
0xa8: {  	s28 =	simm.s32 $_size_execute0_lowered;
	s4 =	sadd.s32 s4, s6;
	[dreg:$0x0] =	wrdreg $0x0  }
0xa9: {  	s6 =	sshll.u32 s28, $0x1;
	[dreg:$0x2] =	wrdreg s4  }
0xaa: {  	[dreg:$0x3] =	wrdreg s6  }
0xab: {  	[dreg:$0x4] =	wrdreg $0xC0  }
0xac: {  	_ =	task [dreg:s8], $0x5FFFF  }
0xad: {  	[dreg:$0x1] =	wrdreg $0xFFFFFFFF  }
0xae: {  	[dreg:$0x0] =	wrdreg $0x60  }
0xaf: {  	[dreg:$0x2] =	wrdreg s2  }
0xb0: {  	[dreg:$0x3] =	wrdreg s18  }
0xb1: {  	[dreg:$0x4] =	wrdreg s24  }
0xb2: {  	[dreg:$0x5] =	wrdreg $0x0  }
0xb3: {  	[dreg:$0x6] =	wrdreg $0x140000  }
0xb4: {  	[dreg:$0x7] =	wrdreg $0x9  }
0xb5: {  	_ =	task.clear_ibuf [dreg:s8], $0x8FFFF;
	_ =	strace $0x90000046  }
0xb6: {  	s29 =	simm.s32 $0x9;
	_ =	strace $0x80000048  }
0xb7: {  	_ =	swait.ge [sflag:s29], $0x1  }
0xb8: {  	[sflag:s29] =	ssyncadd.s32 $0xFFFFFFFF  }
0xb9: {  	_ =	strace $0x90000048  }
0xba: {  	_ =	sfence  }
0xbb: {  	s30 =	sld [smem:$0x0];
	_ =	sdelay $0x2  }
0xbc: {  	s31 =	sshll.u32 s1, $0xD;
	s1 =	sshrl.u32 s1, $0x2  }
0xbd: {  	s3 =	sand.u32 $0x4000, s31;
	s1 =	sadd.s32 s1, s30  }
0xbe: {  	s0 =	sor.u32 s3, s0;
	s1 =	sshll.u32 s1, $0x11  }
0xbf: {  	s0 =	sor.u32 s1, s0  }
0xc0: {  	s0 =	sadd.s32 $0x8F2B, s0  }
0xc1: {  	[sflag:s0] =	ssyncadd.remote.s32 $0x1  }
0xc2: {  	_ =	sfence.sel $0xFFFF  }
0xc3: {  	[dreg:$0x0] =	wrdreg $0xFFFFFFFF;
	(pc) =	sbr.abs _section_cstart, $3  }
0xc4: {  	[dreg:$0x1] =	wrdreg $0xFFFFFFFF  }
0xc5: {  	_ =	task.clear_ibuf [dreg:s8], $0x2FFFF;
	_ =	strace $0x9FFFFFFF  }
0xc6: {  	(tm) =	ssettm $0x7FFFFFFF  }
0xc7: {  	_ =	shalt  }
tec
execute0_lowered:
.L_overlay_start_1:
0x0: {  	(tag) =	ssettag $0x1  }
0x1: {  	s0 =	rddreg [dreg:$0x0]  }
0x2: {  	s1 =	rddreg [dreg:$0x1]  }
0x3: {  	s2 =	rddreg [dreg:$0x2]  }
0x4: {  	s4 =	srdreg.scid;
	s12 =	stileid.u32  }
0x5: {  	s3 =	rddreg [dreg:$0x3];
	s8 =	simm.s32 $0x0;
	s7 =	smul.u32 $0x14000, s12  }
0x6: {  	s28 =	simm.s32 $0x14380;
	s29 =	simm.s32 $0x6;
	s23 =	smul.u32 $0x500, s12  }
0x7: {  	s31 =	simm.s32 $0x8;
	s5 =	sand.u32 $0x1, s4;
	s10 =	smul.u32 $0x50000, s12  }
0x8: {  	s4 =	rddreg [dreg:$0x4];
	s11 =	sshll.u32 s12, $0x1;
	s12 =	smul.u32 $0xA00, s12  }
0x9: {  	[smem:$0x7FF] =	sst s8;
	s9 =	sadd.s32 $0x1400, s2;
	s6 =	smul.u32 $0x140000, s5  }
0xa: {  	_ =	strace $0x80000047;
	s24 =	sshll.u32 s5, $0x7;
	s25 =	ssub.s32 $0x2, s5  }
0xb: {  	s11 =	sor.u32 s5, s11;
	s5 =	smul.u32 $0x500, s5;
	s26 =	sshrl.u32 s25, $0x1  }
0xc: {  	s10 =	sshrl.u32 s10, $0x2;
	s30 =	smul.u32 $0x500, s11;
	s16 =	sshrl.u32 s12, $0x2  }
0xd: {  	s6 =	sadd.s32 s7, s6;
	s7 =	sor.u32 s24, s23;
	s18 =	sadd.s32 s10, s3  }
0xe: {  	s24 =	sadd.s32 s12, s9;
	s6 =	sshrl.u32 s6, $0x3;
	s7 =	sshrl.u32 s7, $0x3  }
0xf: {  	s10 =	sadd.s32 $0x4000, s18;
	s14 =	sadd.s32 $0x8000, s18;
	[dreg:$0x6] =	wrdreg s18  }
0x10: {  	s15 =	sadd.s32 $0xC000, s18;
	s11 =	sadd.s32 s1, s30;
	[dreg:$0x7] =	wrdreg s10  }
0x11: {  	s17 =	sor.u32 $0x10, s30;
	s13 =	sadd.s32 s9, s30;
	[dreg:$0x8] =	wrdreg s14  }
0x12: {  	s20 =	sor.u32 $0x20, s30;
	s8 =	sor.u32 $0x30, s30;
	[dreg:$0x9] =	wrdreg s15  }
0x13: {  	s24 =	sadd.s32 s5, s24;
	s6 =	sadd.s32 s6, s2;
	[dreg:$0xa] =	wrdreg s11  }
0x14: {  	s2 =	sadd.s32 s7, s2;
	s7 =	ssub.s32 s25, s26;
	[dreg:$0xb] =	wrdreg s13  }
0x15: {  	s19 =	sadd.s32 s1, s17;
	s11 =	sadd.s32 s9, s17;
	s21 =	sadd.s32 s1, s20  }
0x16: {  	s22 =	sadd.s32 s9, s20;
	s23 =	sadd.s32 s1, s8;
	s8 =	sadd.s32 s9, s8  }
0x17: {  	s1 =	sadd.s32 s12, s1;
	s26 =	sadd.s32 $0x10000, s18;
	[dreg:$0xc] =	wrdreg s19  }
0x18: {  	s25 =	sadd.s32 s16, s4;
	s14 =	simm.s32 $0x14300;
	[dreg:$0xd] =	wrdreg s11  }
0x19: {  	s17 =	simm.s32 $0x14400;
	s10 =	simm.s32 $0x80;
	[dreg:$0xe] =	wrdreg s21  }
0x1a: {  	s12 =	simm.s32 $0x18680;
	s13 =	simm.s32 $0x1;
	[dreg:$0xf] =	wrdreg s22  }
0x1b: {  	s15 =	simm.s32 $0x1C680;
	s16 =	simm.s32 $0x3;
	[dreg:$0x10] =	wrdreg s23  }
0x1c: {  	s20 =	simm.s32 $0x2;
	s9 =	simm.s32 $0xC;
	[dreg:$0x11] =	wrdreg s8  }
0x1d: {  	[dreg:$0x12] =	wrdreg s26;
	s6 =	sadd.s32 $0xB400, s6;
	s2 =	sadd.s32 $0x5B400, s2  }
.Ltmp0:
0x1e: {  	s30 =	smax.u32 s7, $0x1;
	s23 =	sadd.s32 s5, s1;
	(pc) =	sbr.rel .LBB2_1-.Ltmp0, $4  }
0x1f: {  	s7 =	simm.s32 $0x11;
	s11 =	simm.s32 $0x14280;
	[dreg:$0x13] =	wrdreg s25  }
0x20: {  	s21 =	simm.s32 $0xE;
	s22 =	simm.s32 $0x4;
	[dreg:$0x14] =	wrdreg s6  }
0x21: {  	s19 =	simm.s32 $0x7;
	s26 =	simm.s32 $0x10;
	[dreg:$0x15] =	wrdreg s2  }
0x22: {  	v0 =	vimm.f32 $0.0e+00;
	v1 =	vimm.f32 $1.000000000e+00;
	[dreg:$0x16] =	wrdreg s30;
	s6 =	simm.s32 $0xF;
	s2 =	simm.s32 $0x0  }
.LBB2_6:
0x23: {  	s1 =	stileid.u32;
	[bflag:$0x0] =	sbarrier.arrive $0xFFFF  }
0x24: {  	s7 =	simm.s32 $0x11;
	s1 =	sshll.u32 s1, $0x6;
	s18 =	rddreg [dreg:$0x6]  }
0x25: {  	s5 =	rddreg [dreg:$0x14];
	s1 =	sor.u32 $0x1C11, s1;
	s2 =	sshrl.u32 s18, $0x3  }
0x26: {  	[hbm:s5], [sflag:s1] =	dma.local [spmem:s2], $0x2800  }
0x27: {  	_ =	swait.ge [sflag:s7], $0x2800  }
0x28: {  	s8 =	simm.s32 $0x20;
	[sflag:s7] =	ssyncset.done $0x0;
	s25 =	rddreg [dreg:$0x13]  }
0x29: {  	s30 =	rddreg [dreg:$0x15];
	[sflag:s7] =	ssyncadd.s32 $0xFFFFD800;
	s5 =	sshrl.u32 s25, $0x3  }
0x2a: {  	[hbm:s30@s8], [sflag:s1] =	dma.strided [spmem:s5@s26], $0x50, s13, $0x10   }
0x2b: {  	_ =	swait.ge [sflag:s7], $0x50  }
0x2c: {  	s8 =	rddreg [dreg:$0x17]  }
0x2d: {  	s30 =	rddreg [dreg:$0x16];
	s2 =	sadd.s32 $0x1, s8  }
0x2e: {  	p0 =	sne.s32 s2, s30  }
.Ltmp1:
0x2f: {  	_ = 	snop;
	(pc) =	sbr.rel @!p0 .LBB2_7-.Ltmp1, $3  }
0x30: {  	_ =	sdelay $0x1  }
0x31: {  	[sflag:s7] =	ssyncset.done $0x0  }
0x32: {  	[sflag:s7] =	ssyncadd.s32 $0xFFFFFFB0  }
.LBB2_1:
0x33: {  	[tilespmem:$0x1C700] =	vst v0  }
0x34: {  	[tilespmem:$0x1C710] =	vst v0  }
0x35: {  	[tilespmem:$0x1C720] =	vst v0  }
0x36: {  	[tilespmem:$0x1C730] =	vst v0  }
0x37: {  	[tilespmem:$0x1C740] =	vst v0  }
0x38: {  	[tilespmem:$0x1C750] =	vst v0  }
0x39: {  	[tilespmem:$0x1C760] =	vst v0  }
0x3a: {  	[tilespmem:$0x1C770] =	vst v0  }
0x3b: {  	[tilespmem:$0x1C780] =	vst v0  }
0x3c: {  	[tilespmem:$0x1C790] =	vst v0  }
0x3d: {  	[tilespmem:$0x1C7A0] =	vst v0  }
0x3e: {  	[tilespmem:$0x1C7B0] =	vst v0  }
0x3f: {  	[tilespmem:$0x1C7C0] =	vst v0  }
0x40: {  	[tilespmem:$0x1C7D0] =	vst v0  }
0x41: {  	[tilespmem:$0x1C7E0] =	vst v0  }
0x42: {  	[tilespmem:$0x1C7F0] =	vst v0  }
0x43: {  	[tilespmem:$0x1C800] =	vst v0  }
0x44: {  	[tilespmem:$0x1C810] =	vst v0  }
0x45: {  	[tilespmem:$0x1C820] =	vst v0  }
0x46: {  	[tilespmem:$0x1C830] =	vst v0  }
0x47: {  	[tilespmem:$0x1C840] =	vst v0  }
0x48: {  	[tilespmem:$0x1C850] =	vst v0  }
0x49: {  	[tilespmem:$0x1C860] =	vst v0  }
0x4a: {  	[tilespmem:$0x1C870] =	vst v0  }
0x4b: {  	[tilespmem:$0x1C880] =	vst v0  }
0x4c: {  	[tilespmem:$0x1C890] =	vst v0  }
0x4d: {  	[tilespmem:$0x1C8A0] =	vst v0  }
0x4e: {  	[tilespmem:$0x1C8B0] =	vst v0  }
0x4f: {  	[tilespmem:$0x1C8C0] =	vst v0  }
0x50: {  	[tilespmem:$0x1C8D0] =	vst v0  }
0x51: {  	[tilespmem:$0x1C8E0] =	vst v0  }
0x52: {  	[tilespmem:$0x1C8F0] =	vst v0  }
0x53: {  	[tilespmem:$0x1C900] =	vst v0  }
0x54: {  	[tilespmem:$0x1C910] =	vst v0  }
0x55: {  	[tilespmem:$0x1C920] =	vst v0  }
0x56: {  	[tilespmem:$0x1C930] =	vst v0  }
0x57: {  	[tilespmem:$0x1C940] =	vst v0  }
0x58: {  	[tilespmem:$0x1C950] =	vst v0  }
0x59: {  	[tilespmem:$0x1C960] =	vst v0  }
0x5a: {  	[tilespmem:$0x1C970] =	vst v0  }
0x5b: {  	[tilespmem:$0x1C680] =	vst v1  }
0x5c: {  	[tilespmem:$0x1C690] =	vst v1  }
0x5d: {  	[tilespmem:$0x1C6A0] =	vst v1  }
0x5e: {  	[tilespmem:$0x1C6B0] =	vst v1  }
0x5f: {  	[tilespmem:$0x1C6C0] =	vst v1  }
0x60: {  	[tilespmem:$0x1C6D0] =	vst v1  }
0x61: {  	[tilespmem:$0x1C6E0] =	vst v1  }
0x62: {  	[dreg:$0x17] =	wrdreg s2;
	[tilespmem:$0x1C6F0] =	vst v1;
	s1 =	simm.s32 $0x0;
	s5 =	simm.s32 $0x200  }
.LBB2_2:
0x63: {  	p0 =	sne.s32 s5, $0xFE00;
	[tilespmem:s1+$0x146F0] =	vst v0  }
0x64: {  	[tilespmem:s1+$0x14680] =	vst v0  }
0x65: {  	[tilespmem:s1+$0x14690] =	vst v0  }
.Ltmp2:
0x66: {  	[tilespmem:s1+$0x146A0] =	vst v0;
	(pc) =	sbr.rel @p0 .LBB2_2-.Ltmp2, $4  }
0x67: {  	[tilespmem:s1+$0x146B0] =	vst v0  }
0x68: {  	[tilespmem:s1+$0x146C0] =	vst v0  }
0x69: {  	[tilespmem:s1+$0x146D0] =	vst v0  }
0x6a: {  	[tilespmem:s1+$0x146E0] =	vst v0;
	s1 =	sshra.s32 s5, $0x2;
	s5 =	sadd.s32 $0x200, s5  }
0x6b: {  	[tilespmem:s1+$0x146F0] =	vst v0  }
0x6c: {  	[tilespmem:s1+$0x14680] =	vst v0  }
0x6d: {  	[tilespmem:s1+$0x14690] =	vst v0  }
0x6e: {  	[tilespmem:s1+$0x146A0] =	vst v0  }
0x6f: {  	[tilespmem:s1+$0x146B0] =	vst v0  }
0x70: {  	[tilespmem:s1+$0x146C0] =	vst v0  }
0x71: {  	[tilespmem:s1+$0x146D0] =	vst v0  }
0x72: {  	[tilespmem:s1+$0x146E0] =	vst v0;
	s30 =	simm.s32 $0x14680  }
0x73: {  	[spmem:s18] =	stream.linear.scatter [tilespmem:s30], [sflag:$0x11], $0x4000, $0x38;
	[tilespmem:$0x1C980] =	vst v63  }
0x74: {  	_ =	swait.ge [sflag:s7], $0x4000  }
0x75: {  	[sflag:s7] =	ssyncset.done $0x0  }
0x76: {  	s5 =	rddreg [dreg:$0x7];
	[sflag:s7] =	ssyncadd.s32 $0xFFFFC000  }
0x77: {  	[spmem:s5] =	stream.linear.scatter [tilespmem:s30], [sflag:$0x11], $0x4000, $0x38;
	[tilespmem:$0x1C980] =	vst v63  }
0x78: {  	_ =	swait.ge [sflag:s7], $0x4000  }
0x79: {  	[sflag:s7] =	ssyncset.done $0x0  }
0x7a: {  	s8 =	rddreg [dreg:$0x8];
	[sflag:s7] =	ssyncadd.s32 $0xFFFFC000  }
0x7b: {  	[spmem:s8] =	stream.linear.scatter [tilespmem:s30], [sflag:$0x11], $0x4000, $0x38;
	[tilespmem:$0x1C980] =	vst v63  }
0x7c: {  	_ =	swait.ge [sflag:s7], $0x4000  }
0x7d: {  	[sflag:s7] =	ssyncset.done $0x0  }
0x7e: {  	s18 =	rddreg [dreg:$0x9];
	[sflag:s7] =	ssyncadd.s32 $0xFFFFC000  }
0x7f: {  	[spmem:s18] =	stream.linear.scatter [tilespmem:s30], [sflag:$0x11], $0x4000, $0x38;
	[tilespmem:$0x1C980] =	vst v63  }
0x80: {  	_ =	swait.ge [sflag:s7], $0x4000  }
0x81: {  	[sflag:s7] =	ssyncset.done $0x0  }
0x82: {  	s2 =	rddreg [dreg:$0x12];
	[sflag:s7] =	ssyncadd.s32 $0xFFFFC000  }
0x83: {  	[spmem:s2] =	stream.linear.scatter [tilespmem:s30], [sflag:$0x11], $0x4000, $0x38;
	[tilespmem:$0x1C980] =	vst v63  }
0x84: {  	_ =	swait.ge [sflag:s7], $0x4000  }
0x85: {  	[sflag:s7] =	ssyncset.done $0x0  }
0x86: {  	s5 =	simm.s32 $0x1C700;
	[sflag:s7] =	ssyncadd.s32 $0xFFFFC000  }
0x87: {  	[spmem:s25] =	stream.linear.scatter [tilespmem:s5], [sflag:$0x11], $0x280, $0x38;
	[tilespmem:$0x1C980] =	vst v63  }
0x88: {  	_ =	swait.ge [sflag:s7], $0x280  }
0x89: {  	[sflag:s7] =	ssyncset.done $0x0  }
0x8a: {  	[sflag:s7] =	ssyncadd.s32 $0xFFFFFD80  }
0x8b: {  	[bflag:$0x0] =	sbarrier.arrive $0xFFFF  }
0x8c: {  	s1 =	simm.s32 $0x0;
	s5 =	simm.s32 $0x14480;
	s2 =	rddreg [dreg:$0xa]  }
0x8d: {  	[tilespmem:s5], [sflag:$0x9] =	stream.linear.gather [hbm4b:s2+s1], $0x80, $0x38;
	[tilespmem:$0x1C980] =	vst v63  }
0x8e: {  	s8 =	rddreg [dreg:$0xb]  }
0x8f: {  	[tilespmem:s11], [sflag:$0xD] =	stream.linear.gather [hbm4b:s8+s1], $0x80, $0x38;
	[tilespmem:$0x1C980] =	vst v63  }
0x90: {  	s7 =	simm.s32 $0x14500;
	s11 =	rddreg [dreg:$0xc]  }
0x91: {  	[tilespmem:s7], [sflag:$0xA] =	stream.linear.gather [hbm4b:s11+s1], $0x80, $0x38;
	[tilespmem:$0x1C980] =	vst v63  }
0x92: {  	s18 =	rddreg [dreg:$0xd]  }
0x93: {  	[tilespmem:s14], [sflag:$0xE] =	stream.linear.gather [hbm4b:s18+s1], $0x80, $0x38;
	[tilespmem:$0x1C980] =	vst v63  }
0x94: {  	s25 =	rddreg [dreg:$0xe];
	s8 =	simm.s32 $0x14580  }
0x95: {  	[tilespmem:s8], [sflag:$0xB] =	stream.linear.gather [hbm4b:s25+s1], $0x80, $0x38;
	[tilespmem:$0x1C980] =	vst v63  }
0x96: {  	s11 =	rddreg [dreg:$0xf]  }
0x97: {  	[tilespmem:s28], [sflag:$0xF] =	stream.linear.gather [hbm4b:s11+s1], $0x80, $0x38;
	[tilespmem:$0x1C980] =	vst v63  }
0x98: {  	s14 =	rddreg [dreg:$0x10];
	s25 =	simm.s32 $0x14600  }
0x99: {  	[tilespmem:s25], [sflag:$0xC] =	stream.linear.gather [hbm4b:s14+s1], $0x80, $0x38;
	[tilespmem:$0x1C980] =	vst v63  }
0x9a: {  	s18 =	rddreg [dreg:$0x11];
	s28 =	simm.s32 $0x9  }
0x9b: {  	[tilespmem:s17], [sflag:$0x10] =	stream.linear.gather [hbm4b:s18+s1], $0x80, $0x38;
	[tilespmem:$0x1C980] =	vst v63  }
0x9c: {  	_ =	swait.ge [sflag:s28], $0x80  }
0x9d: {  	[sflag:s28] =	ssyncset.done $0x0  }
0x9e: {  	[sflag:s28] =	ssyncadd.s32 $0xFFFFFF80  }
0x9f: {  	[tilespmem:s30], [sflag:$0x1] =	stream.indirect.gather [hbm4b:s0+s10], $0x80, s5, s10, $0xb8;
	[tilespmem:$0x1C980] =	vst v63  }
0xa0: {  	s30 =	simm.s32 $0xA  }
0xa1: {  	_ =	swait.ge [sflag:s30], $0x80  }
0xa2: {  	[sflag:s30] =	ssyncset.done $0x0  }
0xa3: {  	s18 =	simm.s32 $0x14400;
	[sflag:s30] =	ssyncadd.s32 $0xFFFFFF80  }
0xa4: {  	[tilespmem:s12], [sflag:$0x2] =	stream.indirect.gather [hbm4b:s0+s10], $0x80, s7, s10, $0xb8;
	[tilespmem:$0x1C980] =	vst v63  }
.LBB2_4:
0xa5: {  	_ =	swait.ge [sflag:s13], $0x4000  }
0xa6: {  	[sflag:s13] =	ssyncset.done $0x0  }
0xa7: {  	s2 =	simm.s32 $0xD;
	[sflag:s13] =	ssyncadd.s32 $0xFFFFC000  }
0xa8: {  	_ =	swait.ge [sflag:s2], $0x80  }
0xa9: {  	[sflag:s2] =	ssyncset.done $0x0  }
0xaa: {  	s7 =	simm.s32 $0x14280;
	s17 =	simm.s32 $0x14680;
	[sflag:s2] =	ssyncadd.s32 $0xFFFFFF80  }
0xab: {  	[spmem:s3] =	stream.indirect.scatter.add.f32 [tilespmem:s17], [sflag:$0x3], $0x80, s7, s10, $0xb8;
	[tilespmem:$0x1C980] =	vst v63  }
0xac: {  	_ = 	snop  }
0xad: {  	[spmem:s4] =	stream.indirect.scatter.add.f32 [tilespmem:s15], [sflag:$0x5], $0x1, s7, s10, $0xb8;
	[tilespmem:$0x1C980] =	vst v63  }
0xae: {  	_ =	swait.ge [sflag:s16], $0x4000  }
0xaf: {  	[sflag:s16] =	ssyncset.done $0x0  }
0xb0: {  	s8 =	simm.s32 $0x5;
	p0 =	seq.s32 s1, $0x4C0;
	[sflag:s16] =	ssyncadd.s32 $0xFFFFC000  }
0xb1: {  	s5 =	sadd.s32 @!p0 s1, s23;
	_ =	swait.ge [sflag:s8], $0x80  }
0xb2: {  	s30 =	sadd.s32 @!p0 $0x40, s5;
	[sflag:s8] =	ssyncset.done $0x0  }
0xb3: {  	s2 =	simm.s32 @!p0 $0x14480;
	s7 =	simm.s32 @!p0 $0x0;
	[sflag:s8] =	ssyncadd.s32 $0xFFFFFF80  }
0xb4: {  	[tilespmem:s2], [sflag:$0x9] =	stream.linear.gather @!p0 [hbm4b:s30+s7], $0x80, $0x38;
	[tilespmem:$0x1C980] =	vst v63  }
0xb5: {  	s30 =	sadd.s32 @!p0 s1, s24  }
0xb6: {  	s14 =	simm.s32 $0xB;
	s8 =	simm.s32 @!p0 $0x14280;
	s28 =	sadd.s32 @!p0 $0x40, s30  }
0xb7: {  	[tilespmem:s8], [sflag:$0xD] =	stream.linear.gather @!p0 [hbm4b:s28+s7], $0x80, $0x38;
	[tilespmem:$0x1C980] =	vst v63  }
0xb8: {  	_ =	swait.ge [sflag:s14], $0x80  }
0xb9: {  	[sflag:s14] =	ssyncset.done $0x0  }
0xba: {  	[sflag:s14] =	ssyncadd.s32 $0xFFFFFF80;
	s14 =	simm.s32 $0x14580  }
0xbb: {  	[tilespmem:s17], [sflag:$0x1] =	stream.indirect.gather [hbm4b:s0+s10], $0x80, s14, s10, $0xb8;
	[tilespmem:$0x1C980] =	vst v63  }
0xbc: {  	_ =	swait.ge [sflag:s20], $0x4000  }
0xbd: {  	[sflag:s20] =	ssyncset.done $0x0  }
0xbe: {  	[sflag:s20] =	ssyncadd.s32 $0xFFFFC000  }
0xbf: {  	_ =	swait.ge [sflag:s21], $0x80  }
0xc0: {  	[sflag:s21] =	ssyncset.done $0x0  }
0xc1: {  	s8 =	simm.s32 $0x14300;
	[sflag:s21] =	ssyncadd.s32 $0xFFFFFF80  }
0xc2: {  	[spmem:s3] =	stream.indirect.scatter.add.f32 [tilespmem:s12], [sflag:$0x4], $0x80, s8, s10, $0xb8;
	[tilespmem:$0x1C980] =	vst v63  }
0xc3: {  	_ = 	snop  }
0xc4: {  	[spmem:s4] =	stream.indirect.scatter.add.f32 [tilespmem:s15], [sflag:$0x6], $0x1, s8, s10, $0xb8;
	[tilespmem:$0x1C980] =	vst v63  }
0xc5: {  	_ =	swait.ge [sflag:s22], $0x4000  }
0xc6: {  	[sflag:s22] =	ssyncset.done $0x0  }
0xc7: {  	[sflag:s22] =	ssyncadd.s32 $0xFFFFC000  }
0xc8: {  	_ =	swait.ge [sflag:s29], $0x80  }
0xc9: {  	[sflag:s29] =	ssyncset.done $0x0  }
0xca: {  	s28 =	simm.s32 @!p0 $0x14500;
	s8 =	sadd.s32 @!p0 $0x50, s5;
	[sflag:s29] =	ssyncadd.s32 $0xFFFFFF80  }
0xcb: {  	[tilespmem:s28], [sflag:$0xA] =	stream.linear.gather @!p0 [hbm4b:s8+s7], $0x80, $0x38;
	[tilespmem:$0x1C980] =	vst v63  }
0xcc: {  	s8 =	sadd.s32 @!p0 $0x50, s30;
	s28 =	simm.s32 @!p0 $0x14300  }
0xcd: {  	[tilespmem:s28], [sflag:$0xE] =	stream.linear.gather @!p0 [hbm4b:s8+s7], $0x80, $0x38;
	[tilespmem:$0x1C980] =	vst v63  }
0xce: {  	_ =	swait.ge [sflag:s9], $0x80  }
0xcf: {  	[sflag:s9] =	ssyncset.done $0x0  }
0xd0: {  	[sflag:s9] =	ssyncadd.s32 $0xFFFFFF80  }
0xd1: {  	[tilespmem:s12], [sflag:$0x2] =	stream.indirect.gather [hbm4b:s0+s10], $0x80, s25, s10, $0xb8;
	[tilespmem:$0x1C980] =	vst v63  }
0xd2: {  	_ =	swait.ge [sflag:s13], $0x4000  }
0xd3: {  	[sflag:s13] =	ssyncset.done $0x0  }
0xd4: {  	[sflag:s13] =	ssyncadd.s32 $0xFFFFC000  }
0xd5: {  	_ =	swait.ge [sflag:s6], $0x80  }
0xd6: {  	[sflag:s6] =	ssyncset.done $0x0  }
0xd7: {  	s8 =	simm.s32 $0x14380;
	[sflag:s6] =	ssyncadd.s32 $0xFFFFFF80  }
0xd8: {  	[spmem:s3] =	stream.indirect.scatter.add.f32 [tilespmem:s17], [sflag:$0x3], $0x80, s8, s10, $0xb8;
	[tilespmem:$0x1C980] =	vst v63  }
0xd9: {  	_ = 	snop  }
0xda: {  	[spmem:s4] =	stream.indirect.scatter.add.f32 [tilespmem:s15], [sflag:$0x7], $0x1, s8, s10, $0xb8;
	[tilespmem:$0x1C980] =	vst v63  }
0xdb: {  	_ =	swait.ge [sflag:s16], $0x4000  }
0xdc: {  	[sflag:s16] =	ssyncset.done $0x0  }
0xdd: {  	[sflag:s16] =	ssyncadd.s32 $0xFFFFC000  }
0xde: {  	_ =	swait.ge [sflag:s19], $0x80  }
0xdf: {  	[sflag:s19] =	ssyncset.done $0x0  }
0xe0: {  	s5 =	sadd.s32 @!p0 $0x60, s5;
	s8 =	simm.s32 @!p0 $0x14580;
	[sflag:s19] =	ssyncadd.s32 $0xFFFFFF80  }
0xe1: {  	[tilespmem:s8], [sflag:$0xB] =	stream.linear.gather @!p0 [hbm4b:s5+s7], $0x80, $0x38;
	[tilespmem:$0x1C980] =	vst v63  }
0xe2: {  	s5 =	sadd.s32 @!p0 $0x60, s30;
	s8 =	simm.s32 @!p0 $0x14380  }
0xe3: {  	[tilespmem:s8], [sflag:$0xF] =	stream.linear.gather @!p0 [hbm4b:s5+s7], $0x80, $0x38;
	[tilespmem:$0x1C980] =	vst v63  }
0xe4: {  	s5 =	simm.s32 @!p0 $0x9  }
0xe5: {  	_ =	swait.ge @!p0 [sflag:s5], $0x80  }
0xe6: {  	[sflag:s5] =	ssyncset.done @!p0 $0x0  }
0xe7: {  	s7 =	simm.s32 @!p0 $0x14680;
	[sflag:s5] =	ssyncadd.s32 @!p0 $0xFFFFFF80;
	s5 =	simm.s32 @!p0 $0x80  }
0xe8: {  	[tilespmem:s7], [sflag:$0x1] =	stream.indirect.gather @!p0 [hbm4b:s0+s5], $0x80, s2, s5, $0xb8;
	[tilespmem:$0x1C980] =	vst v63  }
0xe9: {  	_ =	swait.ge [sflag:s20], $0x4000  }
0xea: {  	[sflag:s20] =	ssyncset.done $0x0  }
0xeb: {  	[sflag:s20] =	ssyncadd.s32 $0xFFFFC000  }
0xec: {  	_ =	swait.ge [sflag:s26], $0x80  }
0xed: {  	[sflag:s26] =	ssyncset.done $0x0  }
0xee: {  	[sflag:s26] =	ssyncadd.s32 $0xFFFFFF80  }
0xef: {  	[spmem:s3] =	stream.indirect.scatter.add.f32 [tilespmem:s12], [sflag:$0x4], $0x80, s18, s10, $0xb8;
	[tilespmem:$0x1C980] =	vst v63  }
0xf0: {  	_ = 	snop  }
0xf1: {  	[spmem:s4] =	stream.indirect.scatter.add.f32 [tilespmem:s15], [sflag:$0x8], $0x1, s18, s10, $0xb8;
	[tilespmem:$0x1C980] =	vst v63  }
0xf2: {  	_ =	swait.ge [sflag:s22], $0x4000  }
.Ltmp3:
0xf3: {  	[sflag:s22] =	ssyncset.done $0x0;
	(pc) =	sbr.rel @p0 .LBB2_6-.Ltmp3, $4  }
0xf4: {  	[sflag:s22] =	ssyncadd.s32 $0xFFFFC000  }
0xf5: {  	_ =	swait.ge [sflag:s31], $0x80  }
0xf6: {  	s11 =	simm.s32 $0x14280;
	s14 =	simm.s32 $0x14300;
	[sflag:s31] =	ssyncset.done $0x0  }
0xf7: {  	s28 =	simm.s32 $0x14380;
	s17 =	simm.s32 $0x14400;
	[sflag:s31] =	ssyncadd.s32 $0xFFFFFF80  }
0xf8: {  	s2 =	sadd.s32 s1, s23  }
0xf9: {  	s5 =	simm.s32 $0x0;
	s18 =	sadd.s32 s1, s24;
	s2 =	sadd.s32 $0x70, s2  }
0xfa: {  	[tilespmem:s25], [sflag:$0xC] =	stream.linear.gather [hbm4b:s2+s5], $0x80, $0x38;
	[tilespmem:$0x1C980] =	vst v63  }
0xfb: {  	s2 =	sadd.s32 $0x70, s18  }
0xfc: {  	[tilespmem:s17], [sflag:$0x10] =	stream.linear.gather [hbm4b:s2+s5], $0x80, $0x38;
	[tilespmem:$0x1C980] =	vst v63  }
.Ltmp4:
0xfd: {  	s28 =	simm.s32 $0xA;
	(pc) =	sbr.rel .LBB2_4-.Ltmp4, $4  }
0xfe: {  	_ =	swait.ge [sflag:s28], $0x80  }
0xff: {  	s30 =	simm.s32 $0x14500;
	[sflag:s28] =	ssyncset.done $0x0  }
0x100: {  	s1 =	sadd.s32 $0x40, s1;
	s18 =	simm.s32 $0x14400;
	[sflag:s28] =	ssyncadd.s32 $0xFFFFFF80  }
0x101: {  	[tilespmem:s12], [sflag:$0x2] =	stream.indirect.gather [hbm4b:s0+s10], $0x80, s30, s10, $0xb8;
	[tilespmem:$0x1C980] =	vst v63  }
.LBB2_7:
0x102: {  	_ =	sfence.sel $0x180000  }
0x103: {  	[bflag:$0x0] =	sbarrier.arrive $0xFFFF  }
0x104: {  	_ =	strace $0x90000047  }
0x105: {  	s0 =	stileid.u32;
	[bflag:$0x2] =	sbarrier.arrive $0xFFFF  }
0x106: {  	p0 =	sne.s32 s0, $0x0;
	s0 =	rddreg [dreg:$0x5]  }
0x107: {  	s0 =	sadd.s32 @!p0 $0x100000, s0  }
0x108: {  	[sflag:s0] =	ssyncadd.tile.s32 @!p0 $0x1;
	_ =	shalt  }
.Lfunc_end2:
_tile_overlayer_lowered:
.L_overlay_start_2:
0x109: {  	(tag) =	ssettag $0x2  }
0x10a: {  	s0 =	rddreg [dreg:$0x0];
	s2 =	stileid.u32  }
0x10b: {  	s1 =	rddreg [dreg:$0x1];
	p0 =	sne.s32 s2, $0x0  }
0x10c: {  	s3 =	rddreg [dreg:$0x2];
	[bflag:$0x3] =	sbarrier.arrive $0xFFFF;
	s2 =	simm.s32 @!p0 $0x1C11  }
0x10d: {  	[timem:s3], [sflag:s2] =	dma.local @!p0 [hbm:s0], s1  }
0x10e: {  	s0 =	simm.s32 @!p0 $0x11  }
0x10f: {  	_ =	swait.ge @!p0 [sflag:s0], s1  }
0x110: {  	s1 =	ssub.s32 @!p0 $0x0, s1;
	[sflag:s0] =	ssyncset.done @!p0 $0x0  }
0x111: {  	[sflag:s0] =	ssyncadd.s32 @!p0 s1  }
0x112: {  	[bflag:$0x3] =	sbarrier.arrive $0xFFFF  }
0x113: {  	_ =	shalt  }

</sc_bundles>
